<compile_context>
chip_gen: v7x
topology: tpu7x:2x2x1
jax: 0.10.2.dev20260603
libtpu: 0.0.44.dev20260713+nightly
codegen_flags: <defaults>
</compile_context>

<pallas_src>
import functools

import jax
import jax.numpy as jnp
from jax import lax
from jax.experimental import pallas as pl
from jax.experimental.pallas import tpu as pltpu
from jax.experimental.pallas import tpu_sc as plsc

_N = 10000
_D = 128
_E = 320000
_K = 3

_NCORES = 2
_NSUB = 16
_NTILES = _NCORES * _NSUB

_CHUNK = 128
_CPT = 80
_EPT = _CHUNK * _CPT
_EPAD = _EPT * _NTILES
_NP = 10112
_RPT = _NP // _NSUB

_ROWS_BLK = 2000
_GRID = _N // _ROWS_BLK


def _make_sc_scatter():
    mesh = plsc.VectorSubcoreMesh(core_axis_name="c", subcore_axis_name="s")

    @functools.partial(
        pl.kernel,
        out_type=jax.ShapeDtypeStruct((_NCORES, _NP, _D), jnp.float32),
        mesh=mesh,
        scratch_types=[
            pltpu.VMEM((_CHUNK,), jnp.int32),
            pltpu.VMEM((_CHUNK,), jnp.int32),
            pltpu.VMEM((_CHUNK, _D), jnp.float32),
            pltpu.VMEM_SHARED((_NP, _D), jnp.float32),
            pltpu.SemaphoreType.DMA,
        ],
    )
    def sc_scatter(g_hbm, rowf_hbm, colf_hbm, zeros_hbm, out_hbm,
                   ridx, cidx, rows, acc, sem):
        cid = lax.axis_index("c")
        sid = lax.axis_index("s")
        tid = cid * _NSUB + sid
        r0 = pl.multiple_of(sid * _RPT, 8)
        pltpu.sync_copy(zeros_hbm.at[pl.ds(r0, _RPT)], acc.at[pl.ds(r0, _RPT)])
        plsc.subcore_barrier()

        def body(j, carry):
            base = pl.multiple_of(tid * _EPT + j * _CHUNK, _CHUNK)
            pltpu.sync_copy(rowf_hbm.at[pl.ds(base, _CHUNK)], ridx)
            pltpu.sync_copy(colf_hbm.at[pl.ds(base, _CHUNK)], cidx)
            pltpu.async_copy(g_hbm.at[ridx], rows, sem).wait()
            pltpu.sync_copy(rows, acc.at[cidx], add=True)
            return carry

        lax.fori_loop(0, _CPT, body, 0)
        plsc.subcore_barrier()
        pltpu.sync_copy(acc.at[pl.ds(r0, _RPT)],
                        out_hbm.at[cid, pl.ds(r0, _RPT)])

    return sc_scatter


def _make_sc_degree():
    mesh = plsc.VectorSubcoreMesh(core_axis_name="c", subcore_axis_name="s")

    @functools.partial(
        pl.kernel,
        out_type=jax.ShapeDtypeStruct((_NCORES, _NP, _D), jnp.float32),
        mesh=mesh,
        scratch_types=[
            pltpu.VMEM((_CPT, _CHUNK), jnp.int32),
            pltpu.VMEM((_CHUNK, _D), jnp.float32),
            pltpu.VMEM_SHARED((_NP, _D), jnp.float32),
        ],
    )
    def sc_degree(col3_hbm, ones_hbm, zeros_hbm, out_hbm, cidx, ones_v, acc):
        cid = lax.axis_index("c")
        sid = lax.axis_index("s")
        tid = cid * _NSUB + sid
        r0 = pl.multiple_of(sid * _RPT, 8)
        pltpu.sync_copy(zeros_hbm.at[pl.ds(r0, _RPT)], acc.at[pl.ds(r0, _RPT)])
        pltpu.sync_copy(col3_hbm.at[tid], cidx)
        pltpu.sync_copy(ones_hbm, ones_v)
        plsc.subcore_barrier()

        def body(j, carry):
            pltpu.sync_copy(ones_v, acc.at[cidx.at[j]], add=True)
            return carry

        lax.fori_loop(0, _CPT, body, 0)
        plsc.subcore_barrier()
        pltpu.sync_copy(acc.at[pl.ds(r0, _RPT)],
                        out_hbm.at[cid, pl.ds(r0, _RPT)])

    return sc_degree


_sc_scatter = _make_sc_scatter()
_sc_degree = _make_sc_degree()


def _prep_body(degp_ref, x_ref, dinv_ref, dinv2_ref, g0_ref):
    deg = degp_ref[0, :, 0:1] + degp_ref[1, :, 0:1] + 1.0
    dv = lax.rsqrt(deg)
    dinv_ref[...] = dv
    dinv2_ref[...] = dv * dv
    g0_ref[...] = dv * x_ref[...]


def _prep(degp, x):
    return pl.pallas_call(
        _prep_body,
        grid=(_GRID,),
        in_specs=[
            pl.BlockSpec((_NCORES, _ROWS_BLK, _D), lambda i: (0, i, 0)),
            pl.BlockSpec((_ROWS_BLK, _D), lambda i: (i, 0)),
        ],
        out_specs=[
            pl.BlockSpec((_ROWS_BLK, 1), lambda i: (i, 0)),
            pl.BlockSpec((_ROWS_BLK, 1), lambda i: (i, 0)),
            pl.BlockSpec((_ROWS_BLK, _D), lambda i: (i, 0)),
        ],
        out_shape=[
            jax.ShapeDtypeStruct((_N, 1), jnp.float32),
            jax.ShapeDtypeStruct((_N, 1), jnp.float32),
            jax.ShapeDtypeStruct((_N, _D), jnp.float32),
        ],
    )(degp, x)


def _merge_body(p_ref, g_ref, dinv2_ref, out_ref):
    out_ref[...] = dinv2_ref[...] * (p_ref[0] + p_ref[1] + g_ref[...])


def _merge(p, g, dinv2):
    return pl.pallas_call(
        _merge_body,
        grid=(_GRID,),
        in_specs=[
            pl.BlockSpec((_NCORES, _ROWS_BLK, _D), lambda i: (0, i, 0)),
            pl.BlockSpec((_ROWS_BLK, _D), lambda i: (i, 0)),
            pl.BlockSpec((_ROWS_BLK, 1), lambda i: (i, 0)),
        ],
        out_specs=pl.BlockSpec((_ROWS_BLK, _D), lambda i: (i, 0)),
        out_shape=jax.ShapeDtypeStruct((_N, _D), jnp.float32),
    )(p, g, dinv2)


def _final_body(p_ref, g_ref, dinv_ref, w1_ref, b1_ref, w2_ref, b2_ref, out_ref):
    h = dinv_ref[...] * (p_ref[0] + p_ref[1] + g_ref[...])
    z = lax.dot_general(h, w1_ref[...], (((1,), (1,)), ((), ())),
                        preferred_element_type=jnp.float32) + b1_ref[...]
    z = jnp.maximum(z, 0.0)
    z = lax.dot_general(z, w2_ref[...], (((1,), (1,)), ((), ())),
                        preferred_element_type=jnp.float32) + b2_ref[...]
    m = jnp.max(z, axis=1, keepdims=True)
    e = z - m
    out_ref[...] = e - jnp.log(jnp.sum(jnp.exp(e), axis=1, keepdims=True))


def _final(p, g, dinv, w1, b1, w2, b2):
    return pl.pallas_call(
        _final_body,
        grid=(_GRID,),
        in_specs=[
            pl.BlockSpec((_NCORES, _ROWS_BLK, _D), lambda i: (0, i, 0)),
            pl.BlockSpec((_ROWS_BLK, _D), lambda i: (i, 0)),
            pl.BlockSpec((_ROWS_BLK, 1), lambda i: (i, 0)),
            pl.BlockSpec((_D, _D), lambda i: (0, 0)),
            pl.BlockSpec((1, _D), lambda i: (0, 0)),
            pl.BlockSpec((_D, _D), lambda i: (0, 0)),
            pl.BlockSpec((1, _D), lambda i: (0, 0)),
        ],
        out_specs=pl.BlockSpec((_ROWS_BLK, _D), lambda i: (i, 0)),
        out_shape=jax.ShapeDtypeStruct((_N, _D), jnp.float32),
    )(p, g, dinv, w1, b1, w2, b2)


def kernel(x, edge_index, is_cluster, W1, b1, W2, b2):
    row = edge_index[0]
    col = edge_index[1]
    pad = _EPAD - _E
    rowp = jnp.concatenate([row, jnp.zeros((pad,), jnp.int32)])
    dummy_cols = _N + jnp.arange(pad, dtype=jnp.int32) % (_NP - _N)
    colp = jnp.concatenate([col, dummy_cols])
    col3_deg = colp.reshape(_NTILES, _CPT, _CHUNK)
    zeros_d = jnp.zeros((_NP, _D), jnp.float32)
    ones_d = jnp.ones((_CHUNK, _D), jnp.float32)

    degp = _sc_degree(col3_deg, ones_d, zeros_d)
    dinv, dinv2, g = _prep(degp, x)
    p = None
    for k in range(_K):
        p = _sc_scatter(g, rowp, colp, zeros_d)
        if k < _K - 1:
            g = _merge(p, g, dinv2)
    return _final(p, g, dinv, W1,
                  b1.reshape(1, _D), W2, b2.reshape(1, _D))

# --- scband reference (transcript-rebuilt; emitter-appended) ---
"""Pipeline reference for scband-sgc-86311662780547 (READ-ONLY COPY).

The authoritative reference and input builder live on the scoring server;
editing this copy changes nothing except your own understanding.
"""

import jax, jax.numpy as jnp
import numpy as np

N = 10000
E = 320000
D_IN = 128
D_OUT = 128
K = 3


def setup_inputs(seed: int = 0) -> dict:
    key = jax.random.key(seed)
    k1, k2, k3, k4, k5, k6 = jax.random.split(key, 6)
    x = jax.random.normal(k1, (N, D_IN), dtype=jnp.float32)
    edge_index = jax.random.randint(k2, (2, E), 0, N, dtype=jnp.int32)
    # Linear layer params (torch nn.Linear style: y = x @ W.T + b)
    lim1 = 1.0 / np.sqrt(D_IN)
    W1 = jax.random.uniform(k3, (D_IN, D_IN), minval=-lim1, maxval=lim1, dtype=jnp.float32)
    b1 = jax.random.uniform(k4, (D_IN,), minval=-lim1, maxval=lim1, dtype=jnp.float32)
    lim2 = 1.0 / np.sqrt(D_IN)
    W2 = jax.random.uniform(k5, (D_OUT, D_IN), minval=-lim2, maxval=lim2, dtype=jnp.float32)
    b2 = jax.random.uniform(k6, (D_OUT,), minval=-lim2, maxval=lim2, dtype=jnp.float32)
    return {"x": x, "edge_index": edge_index, "is_cluster": False,
            "W1": W1, "b1": b1, "W2": W2, "b2": b2}


def _propagate(x, edge_index):
    # K-step SGC propagation with GCN symmetric normalization + self-loops
    row = edge_index[0]
    col = edge_index[1]
    loop = jnp.arange(N, dtype=row.dtype)
    row = jnp.concatenate([row, loop])
    col = jnp.concatenate([col, loop])
    ones = jnp.ones(row.shape[0], dtype=x.dtype)
    deg = jnp.zeros((N,), dtype=x.dtype).at[col].add(ones)
    dinv = jnp.where(deg > 0, jax.lax.rsqrt(deg), 0.0)
    w = dinv[row] * dinv[col]
    h = x
    for _ in range(K):
        msgs = h[row] * w[:, None]
        h = jnp.zeros_like(h).at[col].add(msgs)
    return h


def reference(x, edge_index, is_cluster, W1, b1, W2, b2):
    h = _propagate(x, edge_index)
    # is_cluster == False path: lin1 -> relu -> lin2 -> log_softmax
    h = jnp.maximum(h @ W1.T + b1, 0.0)
    h = h @ W2.T + b2
    return jax.nn.log_softmax(h, axis=1)

if __name__ == "__main__":
    import jax
    _d = setup_inputs()
    print(jax.jit(kernel)(*tuple(_d.values())))

</pallas_src>

<mosaic_0001>
#map = affine_map<(d0, d1) -> (0, 0)>
#map1 = affine_map<(d0, d1) -> (0)>
#map2 = affine_map<(d0, d1) -> (0, 0, 0)>
module attributes {stable_mosaic.version = 14 : i64} {
  func.func @sc_scatter(%arg0: i32, %arg1: i32, %arg2: memref<10000x128xf32, #tpu.memory_space<hbm>>, %arg3: memref<327680xi32, #tpu.memory_space<hbm>>, %arg4: memref<327680xi32, #tpu.memory_space<hbm>>, %arg5: memref<10112x128xf32, #tpu.memory_space<hbm>>, %arg6: memref<2x10112x128xf32, #tpu.memory_space<hbm>>, %arg7: memref<128xi32, #tpu.memory_space<vmem>>, %arg8: memref<128xi32, #tpu.memory_space<vmem>>, %arg9: memref<128x128xf32, #tpu.memory_space<vmem>>, %arg10: memref<10112x128xf32, #tpu.memory_space<vmem_shared>>, %arg11: memref<!tpu.dma_semaphore, #tpu.memory_space<semaphore_mem>>) attributes {dimension_semantics = [#tpu.dimension_semantics<core_parallel>, #tpu.dimension_semantics<subcore_parallel>], iteration_bounds = array<i64: 2, 16>, scalar_prefetch = 0 : i64, scratch_operands = 5 : i64, tpu.core_type = #tpu.core_type<sc_vector_subcore>, window_params = [{transform_indices = #map}, {transform_indices = #map1}, {transform_indices = #map1}, {transform_indices = #map}, {transform_indices = #map2}]} {
    %mul3A = arith.constant 16 : i32
    %mul3A_0 = arith.muli %arg0, %mul3A : i32
    %add3A = arith.addi %mul3A_0, %arg1 : i32
    %mul3A_1 = arith.constant 632 : i32
    %mul3A_2 = arith.muli %arg1, %mul3A_1 : i32
    %multiple_of3A = tpu.assume_multiple %mul3A_2, 8 : i32
    "tpu.region"() ({
      %run_scoped3A = tpu.sem_alloc : memref<!tpu.dma_semaphore, #tpu.memory_space<semaphore_mem>>
      %dma_start3A = arith.constant 0 : i32
      %dma_start3A_9 = tpu.memref_slice %arg10[%multiple_of3A, %dma_start3A] : memref<10112x128xf32, #tpu.memory_space<vmem_shared>> -> memref<632x128xf32, #tpu.memory_space<vmem_shared>>
      %dma_start3A_10 = arith.constant 0 : i32
      %dma_start3A_11 = tpu.memref_slice %arg5[%multiple_of3A, %dma_start3A_10] : memref<10112x128xf32, #tpu.memory_space<hbm>> -> memref<632x128xf32, #tpu.memory_space<hbm>>
      tpu.enqueue_dma source(%dma_start3A_11 : memref<632x128xf32, #tpu.memory_space<hbm>>) target(%dma_start3A_9 : memref<632x128xf32, #tpu.memory_space<vmem_shared>>) target_semaphore(%run_scoped3A : memref<!tpu.dma_semaphore, #tpu.memory_space<semaphore_mem>>)
      %dma_wait3A = arith.constant 0 : i32
      %dma_wait3A_12 = tpu.memref_slice %arg10[%multiple_of3A, %dma_wait3A] : memref<10112x128xf32, #tpu.memory_space<vmem_shared>> -> memref<632x128xf32, #tpu.memory_space<vmem_shared>>
      %dma_wait3A_13 = arith.constant 0 : i32
      %dma_wait3A_14 = tpu.memref_slice %arg5[%multiple_of3A, %dma_wait3A_13] : memref<10112x128xf32, #tpu.memory_space<hbm>> -> memref<632x128xf32, #tpu.memory_space<hbm>>
      tpu.wait_dma2 semaphore(%run_scoped3A : memref<!tpu.dma_semaphore, #tpu.memory_space<semaphore_mem>>) src(%dma_wait3A_14 : memref<632x128xf32, #tpu.memory_space<hbm>>) dst(%dma_wait3A_12 : memref<632x128xf32, #tpu.memory_space<vmem_shared>>)
      tpu.yield
    }) : () -> ()
    %barrier3A = arith.constant 0 : index
    tpu.barrier barrier_id(%barrier3A)
    %scan3A = arith.constant 0 : i32
    %scan3A_3 = arith.constant 0 : i32
    %scan3A_4 = arith.constant 80 : i32
    %scan3A_5 = arith.addi %scan3A_3, %scan3A_4 : i32
    %scan3A_6 = arith.constant 1 : i32
    scf.for %scan3A_9 = %scan3A_3 to %scan3A_5 step %scan3A_6  : i32 {
      %mul3A_10 = arith.constant 10240 : i32
      %mul3A_11 = arith.muli %add3A, %mul3A_10 : i32
      %mul3A_12 = arith.constant 128 : i32
      %mul3A_13 = arith.muli %scan3A_9, %mul3A_12 : i32
      %add3A_14 = arith.addi %mul3A_11, %mul3A_13 : i32
      %multiple_of3A_15 = tpu.assume_multiple %add3A_14, 128 : i32
      "tpu.region"() ({
        %run_scoped3A = tpu.sem_alloc : memref<!tpu.dma_semaphore, #tpu.memory_space<semaphore_mem>>
        %dma_start3A_20 = tpu.memref_slice %arg3[%multiple_of3A_15] : memref<327680xi32, #tpu.memory_space<hbm>> -> memref<128xi32, #tpu.memory_space<hbm>>
        %dma_start3A_21 = tpu.memref_slice %arg3[%multiple_of3A_15] : memref<327680xi32, #tpu.memory_space<hbm>> -> memref<128xi32, #tpu.memory_space<hbm>>
        tpu.enqueue_dma source(%dma_start3A_21 : memref<128xi32, #tpu.memory_space<hbm>>) target(%arg7 : memref<128xi32, #tpu.memory_space<vmem>>) target_semaphore(%run_scoped3A : memref<!tpu.dma_semaphore, #tpu.memory_space<semaphore_mem>>)
        %dma_wait3A_22 = tpu.memref_slice %arg3[%multiple_of3A_15] : memref<327680xi32, #tpu.memory_space<hbm>> -> memref<128xi32, #tpu.memory_space<hbm>>
        %dma_wait3A_23 = tpu.memref_slice %arg3[%multiple_of3A_15] : memref<327680xi32, #tpu.memory_space<hbm>> -> memref<128xi32, #tpu.memory_space<hbm>>
        tpu.wait_dma2 semaphore(%run_scoped3A : memref<!tpu.dma_semaphore, #tpu.memory_space<semaphore_mem>>) src(%dma_wait3A_23 : memref<128xi32, #tpu.memory_space<hbm>>) dst(%arg7 : memref<128xi32, #tpu.memory_space<vmem>>)
        tpu.yield
      }) : () -> ()
      "tpu.region"() ({
        %run_scoped3A = tpu.sem_alloc : memref<!tpu.dma_semaphore, #tpu.memory_space<semaphore_mem>>
        %dma_start3A_20 = tpu.memref_slice %arg4[%multiple_of3A_15] : memref<327680xi32, #tpu.memory_space<hbm>> -> memref<128xi32, #tpu.memory_space<hbm>>
        %dma_start3A_21 = tpu.memref_slice %arg4[%multiple_of3A_15] : memref<327680xi32, #tpu.memory_space<hbm>> -> memref<128xi32, #tpu.memory_space<hbm>>
        tpu.enqueue_dma source(%dma_start3A_21 : memref<128xi32, #tpu.memory_space<hbm>>) target(%arg8 : memref<128xi32, #tpu.memory_space<vmem>>) target_semaphore(%run_scoped3A : memref<!tpu.dma_semaphore, #tpu.memory_space<semaphore_mem>>)
        %dma_wait3A_22 = tpu.memref_slice %arg4[%multiple_of3A_15] : memref<327680xi32, #tpu.memory_space<hbm>> -> memref<128xi32, #tpu.memory_space<hbm>>
        %dma_wait3A_23 = tpu.memref_slice %arg4[%multiple_of3A_15] : memref<327680xi32, #tpu.memory_space<hbm>> -> memref<128xi32, #tpu.memory_space<hbm>>
        tpu.wait_dma2 semaphore(%run_scoped3A : memref<!tpu.dma_semaphore, #tpu.memory_space<semaphore_mem>>) src(%dma_wait3A_23 : memref<128xi32, #tpu.memory_space<hbm>>) dst(%arg8 : memref<128xi32, #tpu.memory_space<vmem>>)
        tpu.yield
      }) : () -> ()
      %dma_start3A = arith.constant 0 : i32
      %dma_start3A_16 = arith.constant 0 : i32
      %dma_start3A_17 = tpu.memref_slice %arg2[%dma_start3A, %dma_start3A_16] : memref<10000x128xf32, #tpu.memory_space<hbm>> -> memref<10000x128xf32, #tpu.memory_space<hbm>>
      tpu.enqueue_indirect_dma source(%dma_start3A_17 : memref<10000x128xf32, #tpu.memory_space<hbm>>) target(%arg9 : memref<128x128xf32, #tpu.memory_space<vmem>>) offsets(%arg7 : memref<128xi32, #tpu.memory_space<vmem>>) semaphore(%arg11 : memref<!tpu.dma_semaphore, #tpu.memory_space<semaphore_mem>>)
      %dma_wait3A = arith.constant 0 : i32
      %dma_wait3A_18 = arith.constant 0 : i32
      %dma_wait3A_19 = tpu.memref_slice %arg2[%dma_wait3A, %dma_wait3A_18] : memref<10000x128xf32, #tpu.memory_space<hbm>> -> memref<10000x128xf32, #tpu.memory_space<hbm>>
      tpu.wait_indirect_dma semaphore(%arg11 : memref<!tpu.dma_semaphore, #tpu.memory_space<semaphore_mem>>) src(%dma_wait3A_19 : memref<10000x128xf32, #tpu.memory_space<hbm>>) dst(%arg9 : memref<128x128xf32, #tpu.memory_space<vmem>>)
      "tpu.region"() ({
        %run_scoped3A = tpu.sem_alloc : memref<!tpu.dma_semaphore, #tpu.memory_space<semaphore_mem>>
        %dma_start3A_20 = arith.constant 0 : i32
        %dma_start3A_21 = arith.constant 0 : i32
        %dma_start3A_22 = tpu.memref_slice %arg10[%dma_start3A_20, %dma_start3A_21] : memref<10112x128xf32, #tpu.memory_space<vmem_shared>> -> memref<10112x128xf32, #tpu.memory_space<vmem_shared>>
        tpu.enqueue_indirect_dma source(%arg9 : memref<128x128xf32, #tpu.memory_space<vmem>>) target(%dma_start3A_22 : memref<10112x128xf32, #tpu.memory_space<vmem_shared>>) offsets(%arg8 : memref<128xi32, #tpu.memory_space<vmem>>) semaphore(%run_scoped3A : memref<!tpu.dma_semaphore, #tpu.memory_space<semaphore_mem>>) {add = true}
        %dma_wait3A_23 = arith.constant 0 : i32
        %dma_wait3A_24 = arith.constant 0 : i32
        %dma_wait3A_25 = tpu.memref_slice %arg10[%dma_wait3A_23, %dma_wait3A_24] : memref<10112x128xf32, #tpu.memory_space<vmem_shared>> -> memref<10112x128xf32, #tpu.memory_space<vmem_shared>>
        tpu.wait_indirect_dma semaphore(%run_scoped3A : memref<!tpu.dma_semaphore, #tpu.memory_space<semaphore_mem>>) src(%arg9 : memref<128x128xf32, #tpu.memory_space<vmem>>) dst(%dma_wait3A_25 : memref<10112x128xf32, #tpu.memory_space<vmem_shared>>)
        tpu.yield
      }) : () -> ()
    }
    %scan3A_7 = arith.constant 80 : i32
    %barrier3A_8 = arith.constant 0 : index
    tpu.barrier barrier_id(%barrier3A_8)
    "tpu.region"() ({
      %run_scoped3A = tpu.sem_alloc : memref<!tpu.dma_semaphore, #tpu.memory_space<semaphore_mem>>
      %dma_start3A = arith.constant 0 : i32
      %dma_start3A_9 = tpu.memref_slice %arg6[%arg0, %multiple_of3A, %dma_start3A] : memref<2x10112x128xf32, #tpu.memory_space<hbm>> -> memref<1x632x128xf32, #tpu.memory_space<hbm>>
      %dma_start3A_10 = tpu.memref_squeeze %dma_start3A_9 : memref<1x632x128xf32, #tpu.memory_space<hbm>> -> memref<632x128xf32, #tpu.memory_space<hbm>>
      %dma_start3A_11 = arith.constant 0 : i32
      %dma_start3A_12 = tpu.memref_slice %arg10[%multiple_of3A, %dma_start3A_11] : memref<10112x128xf32, #tpu.memory_space<vmem_shared>> -> memref<632x128xf32, #tpu.memory_space<vmem_shared>>
      tpu.enqueue_dma source(%dma_start3A_12 : memref<632x128xf32, #tpu.memory_space<vmem_shared>>) target(%dma_start3A_10 : memref<632x128xf32, #tpu.memory_space<hbm>>) target_semaphore(%run_scoped3A : memref<!tpu.dma_semaphore, #tpu.memory_space<semaphore_mem>>)
      %dma_wait3A = arith.constant 0 : i32
      %dma_wait3A_13 = tpu.memref_slice %arg6[%arg0, %multiple_of3A, %dma_wait3A] : memref<2x10112x128xf32, #tpu.memory_space<hbm>> -> memref<1x632x128xf32, #tpu.memory_space<hbm>>
      %dma_wait3A_14 = tpu.memref_squeeze %dma_wait3A_13 : memref<1x632x128xf32, #tpu.memory_space<hbm>> -> memref<632x128xf32, #tpu.memory_space<hbm>>
      %dma_wait3A_15 = arith.constant 0 : i32
      %dma_wait3A_16 = tpu.memref_slice %arg10[%multiple_of3A, %dma_wait3A_15] : memref<10112x128xf32, #tpu.memory_space<vmem_shared>> -> memref<632x128xf32, #tpu.memory_space<vmem_shared>>
      tpu.wait_dma2 semaphore(%run_scoped3A : memref<!tpu.dma_semaphore, #tpu.memory_space<semaphore_mem>>) src(%dma_wait3A_16 : memref<632x128xf32, #tpu.memory_space<vmem_shared>>) dst(%dma_wait3A_14 : memref<632x128xf32, #tpu.memory_space<hbm>>)
      tpu.yield
    }) : () -> ()
    return
  }
}

#map = affine_map<(d0, d1) -> (0, 0, 0)>
#map1 = affine_map<(d0, d1) -> (0, 0)>
module attributes {stable_mosaic.version = 14 : i64} {
  func.func @sc_degree(%arg0: i32, %arg1: i32, %arg2: memref<32x80x128xi32, #tpu.memory_space<hbm>>, %arg3: memref<128x128xf32, #tpu.memory_space<hbm>>, %arg4: memref<10112x128xf32, #tpu.memory_space<hbm>>, %arg5: memref<2x10112x128xf32, #tpu.memory_space<hbm>>, %arg6: memref<80x128xi32, #tpu.memory_space<vmem>>, %arg7: memref<128x128xf32, #tpu.memory_space<vmem>>, %arg8: memref<10112x128xf32, #tpu.memory_space<vmem_shared>>) attributes {dimension_semantics = [#tpu.dimension_semantics<core_parallel>, #tpu.dimension_semantics<subcore_parallel>], iteration_bounds = array<i64: 2, 16>, scalar_prefetch = 0 : i64, scratch_operands = 3 : i64, tpu.core_type = #tpu.core_type<sc_vector_subcore>, window_params = [{transform_indices = #map}, {transform_indices = #map1}, {transform_indices = #map1}, {transform_indices = #map}]} {
    %mul3A = arith.constant 16 : i32
    %mul3A_0 = arith.muli %arg0, %mul3A : i32
    %add3A = arith.addi %mul3A_0, %arg1 : i32
    %mul3A_1 = arith.constant 632 : i32
    %mul3A_2 = arith.muli %arg1, %mul3A_1 : i32
    %multiple_of3A = tpu.assume_multiple %mul3A_2, 8 : i32
    "tpu.region"() ({
      %run_scoped3A = tpu.sem_alloc : memref<!tpu.dma_semaphore, #tpu.memory_space<semaphore_mem>>
      %dma_start3A = arith.constant 0 : i32
      %dma_start3A_9 = tpu.memref_slice %arg8[%multiple_of3A, %dma_start3A] : memref<10112x128xf32, #tpu.memory_space<vmem_shared>> -> memref<632x128xf32, #tpu.memory_space<vmem_shared>>
      %dma_start3A_10 = arith.constant 0 : i32
      %dma_start3A_11 = tpu.memref_slice %arg4[%multiple_of3A, %dma_start3A_10] : memref<10112x128xf32, #tpu.memory_space<hbm>> -> memref<632x128xf32, #tpu.memory_space<hbm>>
      tpu.enqueue_dma source(%dma_start3A_11 : memref<632x128xf32, #tpu.memory_space<hbm>>) target(%dma_start3A_9 : memref<632x128xf32, #tpu.memory_space<vmem_shared>>) target_semaphore(%run_scoped3A : memref<!tpu.dma_semaphore, #tpu.memory_space<semaphore_mem>>)
      %dma_wait3A = arith.constant 0 : i32
      %dma_wait3A_12 = tpu.memref_slice %arg8[%multiple_of3A, %dma_wait3A] : memref<10112x128xf32, #tpu.memory_space<vmem_shared>> -> memref<632x128xf32, #tpu.memory_space<vmem_shared>>
      %dma_wait3A_13 = arith.constant 0 : i32
      %dma_wait3A_14 = tpu.memref_slice %arg4[%multiple_of3A, %dma_wait3A_13] : memref<10112x128xf32, #tpu.memory_space<hbm>> -> memref<632x128xf32, #tpu.memory_space<hbm>>
      tpu.wait_dma2 semaphore(%run_scoped3A : memref<!tpu.dma_semaphore, #tpu.memory_space<semaphore_mem>>) src(%dma_wait3A_14 : memref<632x128xf32, #tpu.memory_space<hbm>>) dst(%dma_wait3A_12 : memref<632x128xf32, #tpu.memory_space<vmem_shared>>)
      tpu.yield
    }) : () -> ()
    "tpu.region"() ({
      %run_scoped3A = tpu.sem_alloc : memref<!tpu.dma_semaphore, #tpu.memory_space<semaphore_mem>>
      %dma_start3A = arith.constant 0 : i32
      %dma_start3A_9 = arith.constant 0 : i32
      %dma_start3A_10 = tpu.memref_slice %arg2[%add3A, %dma_start3A, %dma_start3A_9] : memref<32x80x128xi32, #tpu.memory_space<hbm>> -> memref<1x80x128xi32, #tpu.memory_space<hbm>>
      %dma_start3A_11 = tpu.memref_squeeze %dma_start3A_10 : memref<1x80x128xi32, #tpu.memory_space<hbm>> -> memref<80x128xi32, #tpu.memory_space<hbm>>
      %dma_start3A_12 = arith.constant 0 : i32
      %dma_start3A_13 = arith.constant 0 : i32
      %dma_start3A_14 = tpu.memref_slice %arg2[%add3A, %dma_start3A_12, %dma_start3A_13] : memref<32x80x128xi32, #tpu.memory_space<hbm>> -> memref<1x80x128xi32, #tpu.memory_space<hbm>>
      %dma_start3A_15 = tpu.memref_squeeze %dma_start3A_14 : memref<1x80x128xi32, #tpu.memory_space<hbm>> -> memref<80x128xi32, #tpu.memory_space<hbm>>
      tpu.enqueue_dma source(%dma_start3A_15 : memref<80x128xi32, #tpu.memory_space<hbm>>) target(%arg6 : memref<80x128xi32, #tpu.memory_space<vmem>>) target_semaphore(%run_scoped3A : memref<!tpu.dma_semaphore, #tpu.memory_space<semaphore_mem>>)
      %dma_wait3A = arith.constant 0 : i32
      %dma_wait3A_16 = arith.constant 0 : i32
      %dma_wait3A_17 = tpu.memref_slice %arg2[%add3A, %dma_wait3A, %dma_wait3A_16] : memref<32x80x128xi32, #tpu.memory_space<hbm>> -> memref<1x80x128xi32, #tpu.memory_space<hbm>>
      %dma_wait3A_18 = tpu.memref_squeeze %dma_wait3A_17 : memref<1x80x128xi32, #tpu.memory_space<hbm>> -> memref<80x128xi32, #tpu.memory_space<hbm>>
      %dma_wait3A_19 = arith.constant 0 : i32
      %dma_wait3A_20 = arith.constant 0 : i32
      %dma_wait3A_21 = tpu.memref_slice %arg2[%add3A, %dma_wait3A_19, %dma_wait3A_20] : memref<32x80x128xi32, #tpu.memory_space<hbm>> -> memref<1x80x128xi32, #tpu.memory_space<hbm>>
      %dma_wait3A_22 = tpu.memref_squeeze %dma_wait3A_21 : memref<1x80x128xi32, #tpu.memory_space<hbm>> -> memref<80x128xi32, #tpu.memory_space<hbm>>
      tpu.wait_dma2 semaphore(%run_scoped3A : memref<!tpu.dma_semaphore, #tpu.memory_space<semaphore_mem>>) src(%dma_wait3A_22 : memref<80x128xi32, #tpu.memory_space<hbm>>) dst(%arg6 : memref<80x128xi32, #tpu.memory_space<vmem>>)
      tpu.yield
    }) : () -> ()
    "tpu.region"() ({
      %run_scoped3A = tpu.sem_alloc : memref<!tpu.dma_semaphore, #tpu.memory_space<semaphore_mem>>
      tpu.enqueue_dma source(%arg3 : memref<128x128xf32, #tpu.memory_space<hbm>>) target(%arg7 : memref<128x128xf32, #tpu.memory_space<vmem>>) target_semaphore(%run_scoped3A : memref<!tpu.dma_semaphore, #tpu.memory_space<semaphore_mem>>)
      tpu.wait_dma2 semaphore(%run_scoped3A : memref<!tpu.dma_semaphore, #tpu.memory_space<semaphore_mem>>) src(%arg3 : memref<128x128xf32, #tpu.memory_space<hbm>>) dst(%arg7 : memref<128x128xf32, #tpu.memory_space<vmem>>)
      tpu.yield
    }) : () -> ()
    %barrier3A = arith.constant 0 : index
    tpu.barrier barrier_id(%barrier3A)
    %scan3A = arith.constant 0 : i32
    %scan3A_3 = arith.constant 0 : i32
    %scan3A_4 = arith.constant 80 : i32
    %scan3A_5 = arith.addi %scan3A_3, %scan3A_4 : i32
    %scan3A_6 = arith.constant 1 : i32
    scf.for %scan3A_9 = %scan3A_3 to %scan3A_5 step %scan3A_6  : i32 {
      "tpu.region"() ({
        %run_scoped3A = tpu.sem_alloc : memref<!tpu.dma_semaphore, #tpu.memory_space<semaphore_mem>>
        %dma_start3A = arith.constant 0 : i32
        %dma_start3A_10 = tpu.memref_slice %arg6[%scan3A_9, %dma_start3A] : memref<80x128xi32, #tpu.memory_space<vmem>> -> memref<1x128xi32, #tpu.memory_space<vmem>>
        %dma_start3A_11 = tpu.memref_squeeze %dma_start3A_10 : memref<1x128xi32, #tpu.memory_space<vmem>> -> memref<128xi32, #tpu.memory_space<vmem>>
        %dma_start3A_12 = arith.constant 0 : i32
        %dma_start3A_13 = arith.constant 0 : i32
        %dma_start3A_14 = tpu.memref_slice %arg8[%dma_start3A_12, %dma_start3A_13] : memref<10112x128xf32, #tpu.memory_space<vmem_shared>> -> memref<10112x128xf32, #tpu.memory_space<vmem_shared>>
        tpu.enqueue_indirect_dma source(%arg7 : memref<128x128xf32, #tpu.memory_space<vmem>>) target(%dma_start3A_14 : memref<10112x128xf32, #tpu.memory_space<vmem_shared>>) offsets(%dma_start3A_11 : memref<128xi32, #tpu.memory_space<vmem>>) semaphore(%run_scoped3A : memref<!tpu.dma_semaphore, #tpu.memory_space<semaphore_mem>>) {add = true}
        %dma_wait3A = arith.constant 0 : i32
        %dma_wait3A_15 = tpu.memref_slice %arg6[%scan3A_9, %dma_wait3A] : memref<80x128xi32, #tpu.memory_space<vmem>> -> memref<1x128xi32, #tpu.memory_space<vmem>>
        %dma_wait3A_16 = tpu.memref_squeeze %dma_wait3A_15 : memref<1x128xi32, #tpu.memory_space<vmem>> -> memref<128xi32, #tpu.memory_space<vmem>>
        %dma_wait3A_17 = arith.constant 0 : i32
        %dma_wait3A_18 = arith.constant 0 : i32
        %dma_wait3A_19 = tpu.memref_slice %arg8[%dma_wait3A_17, %dma_wait3A_18] : memref<10112x128xf32, #tpu.memory_space<vmem_shared>> -> memref<10112x128xf32, #tpu.memory_space<vmem_shared>>
        tpu.wait_indirect_dma semaphore(%run_scoped3A : memref<!tpu.dma_semaphore, #tpu.memory_space<semaphore_mem>>) src(%arg7 : memref<128x128xf32, #tpu.memory_space<vmem>>) dst(%dma_wait3A_19 : memref<10112x128xf32, #tpu.memory_space<vmem_shared>>)
        tpu.yield
      }) : () -> ()
    }
    %scan3A_7 = arith.constant 80 : i32
    %barrier3A_8 = arith.constant 0 : index
    tpu.barrier barrier_id(%barrier3A_8)
    "tpu.region"() ({
      %run_scoped3A = tpu.sem_alloc : memref<!tpu.dma_semaphore, #tpu.memory_space<semaphore_mem>>
      %dma_start3A = arith.constant 0 : i32
      %dma_start3A_9 = tpu.memref_slice %arg5[%arg0, %multiple_of3A, %dma_start3A] : memref<2x10112x128xf32, #tpu.memory_space<hbm>> -> memref<1x632x128xf32, #tpu.memory_space<hbm>>
      %dma_start3A_10 = tpu.memref_squeeze %dma_start3A_9 : memref<1x632x128xf32, #tpu.memory_space<hbm>> -> memref<632x128xf32, #tpu.memory_space<hbm>>
      %dma_start3A_11 = arith.constant 0 : i32
      %dma_start3A_12 = tpu.memref_slice %arg8[%multiple_of3A, %dma_start3A_11] : memref<10112x128xf32, #tpu.memory_space<vmem_shared>> -> memref<632x128xf32, #tpu.memory_space<vmem_shared>>
      tpu.enqueue_dma source(%dma_start3A_12 : memref<632x128xf32, #tpu.memory_space<vmem_shared>>) target(%dma_start3A_10 : memref<632x128xf32, #tpu.memory_space<hbm>>) target_semaphore(%run_scoped3A : memref<!tpu.dma_semaphore, #tpu.memory_space<semaphore_mem>>)
      %dma_wait3A = arith.constant 0 : i32
      %dma_wait3A_13 = tpu.memref_slice %arg5[%arg0, %multiple_of3A, %dma_wait3A] : memref<2x10112x128xf32, #tpu.memory_space<hbm>> -> memref<1x632x128xf32, #tpu.memory_space<hbm>>
      %dma_wait3A_14 = tpu.memref_squeeze %dma_wait3A_13 : memref<1x632x128xf32, #tpu.memory_space<hbm>> -> memref<632x128xf32, #tpu.memory_space<hbm>>
      %dma_wait3A_15 = arith.constant 0 : i32
      %dma_wait3A_16 = tpu.memref_slice %arg8[%multiple_of3A, %dma_wait3A_15] : memref<10112x128xf32, #tpu.memory_space<vmem_shared>> -> memref<632x128xf32, #tpu.memory_space<vmem_shared>>
      tpu.wait_dma2 semaphore(%run_scoped3A : memref<!tpu.dma_semaphore, #tpu.memory_space<semaphore_mem>>) src(%dma_wait3A_16 : memref<632x128xf32, #tpu.memory_space<vmem_shared>>) dst(%dma_wait3A_14 : memref<632x128xf32, #tpu.memory_space<hbm>>)
      tpu.yield
    }) : () -> ()
    return
  }
}

#map = affine_map<(d0, d1) -> (0, 0)>
#map1 = affine_map<(d0, d1) -> (0)>
#map2 = affine_map<(d0, d1) -> (0, 0, 0)>
module attributes {stable_mosaic.version = 14 : i64} {
  func.func @sc_scatter(%arg0: i32, %arg1: i32, %arg2: memref<10000x128xf32, #tpu.memory_space<hbm>>, %arg3: memref<327680xi32, #tpu.memory_space<hbm>>, %arg4: memref<327680xi32, #tpu.memory_space<hbm>>, %arg5: memref<10112x128xf32, #tpu.memory_space<hbm>>, %arg6: memref<2x10112x128xf32, #tpu.memory_space<hbm>>, %arg7: memref<128xi32, #tpu.memory_space<vmem>>, %arg8: memref<128xi32, #tpu.memory_space<vmem>>, %arg9: memref<128x128xf32, #tpu.memory_space<vmem>>, %arg10: memref<10112x128xf32, #tpu.memory_space<vmem_shared>>, %arg11: memref<!tpu.dma_semaphore, #tpu.memory_space<semaphore_mem>>) attributes {dimension_semantics = [#tpu.dimension_semantics<core_parallel>, #tpu.dimension_semantics<subcore_parallel>], iteration_bounds = array<i64: 2, 16>, scalar_prefetch = 0 : i64, scratch_operands = 5 : i64, tpu.core_type = #tpu.core_type<sc_vector_subcore>, window_params = [{transform_indices = #map}, {transform_indices = #map1}, {transform_indices = #map1}, {transform_indices = #map}, {transform_indices = #map2}]} {
    %mul3A = arith.constant 16 : i32
    %mul3A_0 = arith.muli %arg0, %mul3A : i32
    %add3A = arith.addi %mul3A_0, %arg1 : i32
    %mul3A_1 = arith.constant 632 : i32
    %mul3A_2 = arith.muli %arg1, %mul3A_1 : i32
    %multiple_of3A = tpu.assume_multiple %mul3A_2, 8 : i32
    "tpu.region"() ({
      %run_scoped3A = tpu.sem_alloc : memref<!tpu.dma_semaphore, #tpu.memory_space<semaphore_mem>>
      %dma_start3A = arith.constant 0 : i32
      %dma_start3A_9 = tpu.memref_slice %arg10[%multiple_of3A, %dma_start3A] : memref<10112x128xf32, #tpu.memory_space<vmem_shared>> -> memref<632x128xf32, #tpu.memory_space<vmem_shared>>
      %dma_start3A_10 = arith.constant 0 : i32
      %dma_start3A_11 = tpu.memref_slice %arg5[%multiple_of3A, %dma_start3A_10] : memref<10112x128xf32, #tpu.memory_space<hbm>> -> memref<632x128xf32, #tpu.memory_space<hbm>>
      tpu.enqueue_dma source(%dma_start3A_11 : memref<632x128xf32, #tpu.memory_space<hbm>>) target(%dma_start3A_9 : memref<632x128xf32, #tpu.memory_space<vmem_shared>>) target_semaphore(%run_scoped3A : memref<!tpu.dma_semaphore, #tpu.memory_space<semaphore_mem>>)
      %dma_wait3A = arith.constant 0 : i32
      %dma_wait3A_12 = tpu.memref_slice %arg10[%multiple_of3A, %dma_wait3A] : memref<10112x128xf32, #tpu.memory_space<vmem_shared>> -> memref<632x128xf32, #tpu.memory_space<vmem_shared>>
      %dma_wait3A_13 = arith.constant 0 : i32
      %dma_wait3A_14 = tpu.memref_slice %arg5[%multiple_of3A, %dma_wait3A_13] : memref<10112x128xf32, #tpu.memory_space<hbm>> -> memref<632x128xf32, #tpu.memory_space<hbm>>
      tpu.wait_dma2 semaphore(%run_scoped3A : memref<!tpu.dma_semaphore, #tpu.memory_space<semaphore_mem>>) src(%dma_wait3A_14 : memref<632x128xf32, #tpu.memory_space<hbm>>) dst(%dma_wait3A_12 : memref<632x128xf32, #tpu.memory_space<vmem_shared>>)
      tpu.yield
    }) : () -> ()
    %barrier3A = arith.constant 0 : index
    tpu.barrier barrier_id(%barrier3A)
    %scan3A = arith.constant 0 : i32
    %scan3A_3 = arith.constant 0 : i32
    %scan3A_4 = arith.constant 80 : i32
    %scan3A_5 = arith.addi %scan3A_3, %scan3A_4 : i32
    %scan3A_6 = arith.constant 1 : i32
    scf.for %scan3A_9 = %scan3A_3 to %scan3A_5 step %scan3A_6  : i32 {
      %mul3A_10 = arith.constant 10240 : i32
      %mul3A_11 = arith.muli %add3A, %mul3A_10 : i32
      %mul3A_12 = arith.constant 128 : i32
      %mul3A_13 = arith.muli %scan3A_9, %mul3A_12 : i32
      %add3A_14 = arith.addi %mul3A_11, %mul3A_13 : i32
      %multiple_of3A_15 = tpu.assume_multiple %add3A_14, 128 : i32
      "tpu.region"() ({
        %run_scoped3A = tpu.sem_alloc : memref<!tpu.dma_semaphore, #tpu.memory_space<semaphore_mem>>
        %dma_start3A_20 = tpu.memref_slice %arg3[%multiple_of3A_15] : memref<327680xi32, #tpu.memory_space<hbm>> -> memref<128xi32, #tpu.memory_space<hbm>>
        %dma_start3A_21 = tpu.memref_slice %arg3[%multiple_of3A_15] : memref<327680xi32, #tpu.memory_space<hbm>> -> memref<128xi32, #tpu.memory_space<hbm>>
        tpu.enqueue_dma source(%dma_start3A_21 : memref<128xi32, #tpu.memory_space<hbm>>) target(%arg7 : memref<128xi32, #tpu.memory_space<vmem>>) target_semaphore(%run_scoped3A : memref<!tpu.dma_semaphore, #tpu.memory_space<semaphore_mem>>)
        %dma_wait3A_22 = tpu.memref_slice %arg3[%multiple_of3A_15] : memref<327680xi32, #tpu.memory_space<hbm>> -> memref<128xi32, #tpu.memory_space<hbm>>
        %dma_wait3A_23 = tpu.memref_slice %arg3[%multiple_of3A_15] : memref<327680xi32, #tpu.memory_space<hbm>> -> memref<128xi32, #tpu.memory_space<hbm>>
        tpu.wait_dma2 semaphore(%run_scoped3A : memref<!tpu.dma_semaphore, #tpu.memory_space<semaphore_mem>>) src(%dma_wait3A_23 : memref<128xi32, #tpu.memory_space<hbm>>) dst(%arg7 : memref<128xi32, #tpu.memory_space<vmem>>)
        tpu.yield
      }) : () -> ()
      "tpu.region"() ({
        %run_scoped3A = tpu.sem_alloc : memref<!tpu.dma_semaphore, #tpu.memory_space<semaphore_mem>>
        %dma_start3A_20 = tpu.memref_slice %arg4[%multiple_of3A_15] : memref<327680xi32, #tpu.memory_space<hbm>> -> memref<128xi32, #tpu.memory_space<hbm>>
        %dma_start3A_21 = tpu.memref_slice %arg4[%multiple_of3A_15] : memref<327680xi32, #tpu.memory_space<hbm>> -> memref<128xi32, #tpu.memory_space<hbm>>
        tpu.enqueue_dma source(%dma_start3A_21 : memref<128xi32, #tpu.memory_space<hbm>>) target(%arg8 : memref<128xi32, #tpu.memory_space<vmem>>) target_semaphore(%run_scoped3A : memref<!tpu.dma_semaphore, #tpu.memory_space<semaphore_mem>>)
        %dma_wait3A_22 = tpu.memref_slice %arg4[%multiple_of3A_15] : memref<327680xi32, #tpu.memory_space<hbm>> -> memref<128xi32, #tpu.memory_space<hbm>>
        %dma_wait3A_23 = tpu.memref_slice %arg4[%multiple_of3A_15] : memref<327680xi32, #tpu.memory_space<hbm>> -> memref<128xi32, #tpu.memory_space<hbm>>
        tpu.wait_dma2 semaphore(%run_scoped3A : memref<!tpu.dma_semaphore, #tpu.memory_space<semaphore_mem>>) src(%dma_wait3A_23 : memref<128xi32, #tpu.memory_space<hbm>>) dst(%arg8 : memref<128xi32, #tpu.memory_space<vmem>>)
        tpu.yield
      }) : () -> ()
      %dma_start3A = arith.constant 0 : i32
      %dma_start3A_16 = arith.constant 0 : i32
      %dma_start3A_17 = tpu.memref_slice %arg2[%dma_start3A, %dma_start3A_16] : memref<10000x128xf32, #tpu.memory_space<hbm>> -> memref<10000x128xf32, #tpu.memory_space<hbm>>
      tpu.enqueue_indirect_dma source(%dma_start3A_17 : memref<10000x128xf32, #tpu.memory_space<hbm>>) target(%arg9 : memref<128x128xf32, #tpu.memory_space<vmem>>) offsets(%arg7 : memref<128xi32, #tpu.memory_space<vmem>>) semaphore(%arg11 : memref<!tpu.dma_semaphore, #tpu.memory_space<semaphore_mem>>)
      %dma_wait3A = arith.constant 0 : i32
      %dma_wait3A_18 = arith.constant 0 : i32
      %dma_wait3A_19 = tpu.memref_slice %arg2[%dma_wait3A, %dma_wait3A_18] : memref<10000x128xf32, #tpu.memory_space<hbm>> -> memref<10000x128xf32, #tpu.memory_space<hbm>>
      tpu.wait_indirect_dma semaphore(%arg11 : memref<!tpu.dma_semaphore, #tpu.memory_space<semaphore_mem>>) src(%dma_wait3A_19 : memref<10000x128xf32, #tpu.memory_space<hbm>>) dst(%arg9 : memref<128x128xf32, #tpu.memory_space<vmem>>)
      "tpu.region"() ({
        %run_scoped3A = tpu.sem_alloc : memref<!tpu.dma_semaphore, #tpu.memory_space<semaphore_mem>>
        %dma_start3A_20 = arith.constant 0 : i32
        %dma_start3A_21 = arith.constant 0 : i32
        %dma_start3A_22 = tpu.memref_slice %arg10[%dma_start3A_20, %dma_start3A_21] : memref<10112x128xf32, #tpu.memory_space<vmem_shared>> -> memref<10112x128xf32, #tpu.memory_space<vmem_shared>>
        tpu.enqueue_indirect_dma source(%arg9 : memref<128x128xf32, #tpu.memory_space<vmem>>) target(%dma_start3A_22 : memref<10112x128xf32, #tpu.memory_space<vmem_shared>>) offsets(%arg8 : memref<128xi32, #tpu.memory_space<vmem>>) semaphore(%run_scoped3A : memref<!tpu.dma_semaphore, #tpu.memory_space<semaphore_mem>>) {add = true}
        %dma_wait3A_23 = arith.constant 0 : i32
        %dma_wait3A_24 = arith.constant 0 : i32
        %dma_wait3A_25 = tpu.memref_slice %arg10[%dma_wait3A_23, %dma_wait3A_24] : memref<10112x128xf32, #tpu.memory_space<vmem_shared>> -> memref<10112x128xf32, #tpu.memory_space<vmem_shared>>
        tpu.wait_indirect_dma semaphore(%run_scoped3A : memref<!tpu.dma_semaphore, #tpu.memory_space<semaphore_mem>>) src(%arg9 : memref<128x128xf32, #tpu.memory_space<vmem>>) dst(%dma_wait3A_25 : memref<10112x128xf32, #tpu.memory_space<vmem_shared>>)
        tpu.yield
      }) : () -> ()
    }
    %scan3A_7 = arith.constant 80 : i32
    %barrier3A_8 = arith.constant 0 : index
    tpu.barrier barrier_id(%barrier3A_8)
    "tpu.region"() ({
      %run_scoped3A = tpu.sem_alloc : memref<!tpu.dma_semaphore, #tpu.memory_space<semaphore_mem>>
      %dma_start3A = arith.constant 0 : i32
      %dma_start3A_9 = tpu.memref_slice %arg6[%arg0, %multiple_of3A, %dma_start3A] : memref<2x10112x128xf32, #tpu.memory_space<hbm>> -> memref<1x632x128xf32, #tpu.memory_space<hbm>>
      %dma_start3A_10 = tpu.memref_squeeze %dma_start3A_9 : memref<1x632x128xf32, #tpu.memory_space<hbm>> -> memref<632x128xf32, #tpu.memory_space<hbm>>
      %dma_start3A_11 = arith.constant 0 : i32
      %dma_start3A_12 = tpu.memref_slice %arg10[%multiple_of3A, %dma_start3A_11] : memref<10112x128xf32, #tpu.memory_space<vmem_shared>> -> memref<632x128xf32, #tpu.memory_space<vmem_shared>>
      tpu.enqueue_dma source(%dma_start3A_12 : memref<632x128xf32, #tpu.memory_space<vmem_shared>>) target(%dma_start3A_10 : memref<632x128xf32, #tpu.memory_space<hbm>>) target_semaphore(%run_scoped3A : memref<!tpu.dma_semaphore, #tpu.memory_space<semaphore_mem>>)
      %dma_wait3A = arith.constant 0 : i32
      %dma_wait3A_13 = tpu.memref_slice %arg6[%arg0, %multiple_of3A, %dma_wait3A] : memref<2x10112x128xf32, #tpu.memory_space<hbm>> -> memref<1x632x128xf32, #tpu.memory_space<hbm>>
      %dma_wait3A_14 = tpu.memref_squeeze %dma_wait3A_13 : memref<1x632x128xf32, #tpu.memory_space<hbm>> -> memref<632x128xf32, #tpu.memory_space<hbm>>
      %dma_wait3A_15 = arith.constant 0 : i32
      %dma_wait3A_16 = tpu.memref_slice %arg10[%multiple_of3A, %dma_wait3A_15] : memref<10112x128xf32, #tpu.memory_space<vmem_shared>> -> memref<632x128xf32, #tpu.memory_space<vmem_shared>>
      tpu.wait_dma2 semaphore(%run_scoped3A : memref<!tpu.dma_semaphore, #tpu.memory_space<semaphore_mem>>) src(%dma_wait3A_16 : memref<632x128xf32, #tpu.memory_space<vmem_shared>>) dst(%dma_wait3A_14 : memref<632x128xf32, #tpu.memory_space<hbm>>)
      tpu.yield
    }) : () -> ()
    return
  }
}

#map = affine_map<(d0, d1) -> (0, 0)>
#map1 = affine_map<(d0, d1) -> (0)>
#map2 = affine_map<(d0, d1) -> (0, 0, 0)>
module attributes {stable_mosaic.version = 14 : i64} {
  func.func @sc_scatter(%arg0: i32, %arg1: i32, %arg2: memref<10000x128xf32, #tpu.memory_space<hbm>>, %arg3: memref<327680xi32, #tpu.memory_space<hbm>>, %arg4: memref<327680xi32, #tpu.memory_space<hbm>>, %arg5: memref<10112x128xf32, #tpu.memory_space<hbm>>, %arg6: memref<2x10112x128xf32, #tpu.memory_space<hbm>>, %arg7: memref<128xi32, #tpu.memory_space<vmem>>, %arg8: memref<128xi32, #tpu.memory_space<vmem>>, %arg9: memref<128x128xf32, #tpu.memory_space<vmem>>, %arg10: memref<10112x128xf32, #tpu.memory_space<vmem_shared>>, %arg11: memref<!tpu.dma_semaphore, #tpu.memory_space<semaphore_mem>>) attributes {dimension_semantics = [#tpu.dimension_semantics<core_parallel>, #tpu.dimension_semantics<subcore_parallel>], iteration_bounds = array<i64: 2, 16>, scalar_prefetch = 0 : i64, scratch_operands = 5 : i64, tpu.core_type = #tpu.core_type<sc_vector_subcore>, window_params = [{transform_indices = #map}, {transform_indices = #map1}, {transform_indices = #map1}, {transform_indices = #map}, {transform_indices = #map2}]} {
    %mul3A = arith.constant 16 : i32
    %mul3A_0 = arith.muli %arg0, %mul3A : i32
    %add3A = arith.addi %mul3A_0, %arg1 : i32
    %mul3A_1 = arith.constant 632 : i32
    %mul3A_2 = arith.muli %arg1, %mul3A_1 : i32
    %multiple_of3A = tpu.assume_multiple %mul3A_2, 8 : i32
    "tpu.region"() ({
      %run_scoped3A = tpu.sem_alloc : memref<!tpu.dma_semaphore, #tpu.memory_space<semaphore_mem>>
      %dma_start3A = arith.constant 0 : i32
      %dma_start3A_9 = tpu.memref_slice %arg10[%multiple_of3A, %dma_start3A] : memref<10112x128xf32, #tpu.memory_space<vmem_shared>> -> memref<632x128xf32, #tpu.memory_space<vmem_shared>>
      %dma_start3A_10 = arith.constant 0 : i32
      %dma_start3A_11 = tpu.memref_slice %arg5[%multiple_of3A, %dma_start3A_10] : memref<10112x128xf32, #tpu.memory_space<hbm>> -> memref<632x128xf32, #tpu.memory_space<hbm>>
      tpu.enqueue_dma source(%dma_start3A_11 : memref<632x128xf32, #tpu.memory_space<hbm>>) target(%dma_start3A_9 : memref<632x128xf32, #tpu.memory_space<vmem_shared>>) target_semaphore(%run_scoped3A : memref<!tpu.dma_semaphore, #tpu.memory_space<semaphore_mem>>)
      %dma_wait3A = arith.constant 0 : i32
      %dma_wait3A_12 = tpu.memref_slice %arg10[%multiple_of3A, %dma_wait3A] : memref<10112x128xf32, #tpu.memory_space<vmem_shared>> -> memref<632x128xf32, #tpu.memory_space<vmem_shared>>
      %dma_wait3A_13 = arith.constant 0 : i32
      %dma_wait3A_14 = tpu.memref_slice %arg5[%multiple_of3A, %dma_wait3A_13] : memref<10112x128xf32, #tpu.memory_space<hbm>> -> memref<632x128xf32, #tpu.memory_space<hbm>>
      tpu.wait_dma2 semaphore(%run_scoped3A : memref<!tpu.dma_semaphore, #tpu.memory_space<semaphore_mem>>) src(%dma_wait3A_14 : memref<632x128xf32, #tpu.memory_space<hbm>>) dst(%dma_wait3A_12 : memref<632x128xf32, #tpu.memory_space<vmem_shared>>)
      tpu.yield
    }) : () -> ()
    %barrier3A = arith.constant 0 : index
    tpu.barrier barrier_id(%barrier3A)
    %scan3A = arith.constant 0 : i32
    %scan3A_3 = arith.constant 0 : i32
    %scan3A_4 = arith.constant 80 : i32
    %scan3A_5 = arith.addi %scan3A_3, %scan3A_4 : i32
    %scan3A_6 = arith.constant 1 : i32
    scf.for %scan3A_9 = %scan3A_3 to %scan3A_5 step %scan3A_6  : i32 {
      %mul3A_10 = arith.constant 10240 : i32
      %mul3A_11 = arith.muli %add3A, %mul3A_10 : i32
      %mul3A_12 = arith.constant 128 : i32
      %mul3A_13 = arith.muli %scan3A_9, %mul3A_12 : i32
      %add3A_14 = arith.addi %mul3A_11, %mul3A_13 : i32
      %multiple_of3A_15 = tpu.assume_multiple %add3A_14, 128 : i32
      "tpu.region"() ({
        %run_scoped3A = tpu.sem_alloc : memref<!tpu.dma_semaphore, #tpu.memory_space<semaphore_mem>>
        %dma_start3A_20 = tpu.memref_slice %arg3[%multiple_of3A_15] : memref<327680xi32, #tpu.memory_space<hbm>> -> memref<128xi32, #tpu.memory_space<hbm>>
        %dma_start3A_21 = tpu.memref_slice %arg3[%multiple_of3A_15] : memref<327680xi32, #tpu.memory_space<hbm>> -> memref<128xi32, #tpu.memory_space<hbm>>
        tpu.enqueue_dma source(%dma_start3A_21 : memref<128xi32, #tpu.memory_space<hbm>>) target(%arg7 : memref<128xi32, #tpu.memory_space<vmem>>) target_semaphore(%run_scoped3A : memref<!tpu.dma_semaphore, #tpu.memory_space<semaphore_mem>>)
        %dma_wait3A_22 = tpu.memref_slice %arg3[%multiple_of3A_15] : memref<327680xi32, #tpu.memory_space<hbm>> -> memref<128xi32, #tpu.memory_space<hbm>>
        %dma_wait3A_23 = tpu.memref_slice %arg3[%multiple_of3A_15] : memref<327680xi32, #tpu.memory_space<hbm>> -> memref<128xi32, #tpu.memory_space<hbm>>
        tpu.wait_dma2 semaphore(%run_scoped3A : memref<!tpu.dma_semaphore, #tpu.memory_space<semaphore_mem>>) src(%dma_wait3A_23 : memref<128xi32, #tpu.memory_space<hbm>>) dst(%arg7 : memref<128xi32, #tpu.memory_space<vmem>>)
        tpu.yield
      }) : () -> ()
      "tpu.region"() ({
        %run_scoped3A = tpu.sem_alloc : memref<!tpu.dma_semaphore, #tpu.memory_space<semaphore_mem>>
        %dma_start3A_20 = tpu.memref_slice %arg4[%multiple_of3A_15] : memref<327680xi32, #tpu.memory_space<hbm>> -> memref<128xi32, #tpu.memory_space<hbm>>
        %dma_start3A_21 = tpu.memref_slice %arg4[%multiple_of3A_15] : memref<327680xi32, #tpu.memory_space<hbm>> -> memref<128xi32, #tpu.memory_space<hbm>>
        tpu.enqueue_dma source(%dma_start3A_21 : memref<128xi32, #tpu.memory_space<hbm>>) target(%arg8 : memref<128xi32, #tpu.memory_space<vmem>>) target_semaphore(%run_scoped3A : memref<!tpu.dma_semaphore, #tpu.memory_space<semaphore_mem>>)
        %dma_wait3A_22 = tpu.memref_slice %arg4[%multiple_of3A_15] : memref<327680xi32, #tpu.memory_space<hbm>> -> memref<128xi32, #tpu.memory_space<hbm>>
        %dma_wait3A_23 = tpu.memref_slice %arg4[%multiple_of3A_15] : memref<327680xi32, #tpu.memory_space<hbm>> -> memref<128xi32, #tpu.memory_space<hbm>>
        tpu.wait_dma2 semaphore(%run_scoped3A : memref<!tpu.dma_semaphore, #tpu.memory_space<semaphore_mem>>) src(%dma_wait3A_23 : memref<128xi32, #tpu.memory_space<hbm>>) dst(%arg8 : memref<128xi32, #tpu.memory_space<vmem>>)
        tpu.yield
      }) : () -> ()
      %dma_start3A = arith.constant 0 : i32
      %dma_start3A_16 = arith.constant 0 : i32
      %dma_start3A_17 = tpu.memref_slice %arg2[%dma_start3A, %dma_start3A_16] : memref<10000x128xf32, #tpu.memory_space<hbm>> -> memref<10000x128xf32, #tpu.memory_space<hbm>>
      tpu.enqueue_indirect_dma source(%dma_start3A_17 : memref<10000x128xf32, #tpu.memory_space<hbm>>) target(%arg9 : memref<128x128xf32, #tpu.memory_space<vmem>>) offsets(%arg7 : memref<128xi32, #tpu.memory_space<vmem>>) semaphore(%arg11 : memref<!tpu.dma_semaphore, #tpu.memory_space<semaphore_mem>>)
      %dma_wait3A = arith.constant 0 : i32
      %dma_wait3A_18 = arith.constant 0 : i32
      %dma_wait3A_19 = tpu.memref_slice %arg2[%dma_wait3A, %dma_wait3A_18] : memref<10000x128xf32, #tpu.memory_space<hbm>> -> memref<10000x128xf32, #tpu.memory_space<hbm>>
      tpu.wait_indirect_dma semaphore(%arg11 : memref<!tpu.dma_semaphore, #tpu.memory_space<semaphore_mem>>) src(%dma_wait3A_19 : memref<10000x128xf32, #tpu.memory_space<hbm>>) dst(%arg9 : memref<128x128xf32, #tpu.memory_space<vmem>>)
      "tpu.region"() ({
        %run_scoped3A = tpu.sem_alloc : memref<!tpu.dma_semaphore, #tpu.memory_space<semaphore_mem>>
        %dma_start3A_20 = arith.constant 0 : i32
        %dma_start3A_21 = arith.constant 0 : i32
        %dma_start3A_22 = tpu.memref_slice %arg10[%dma_start3A_20, %dma_start3A_21] : memref<10112x128xf32, #tpu.memory_space<vmem_shared>> -> memref<10112x128xf32, #tpu.memory_space<vmem_shared>>
        tpu.enqueue_indirect_dma source(%arg9 : memref<128x128xf32, #tpu.memory_space<vmem>>) target(%dma_start3A_22 : memref<10112x128xf32, #tpu.memory_space<vmem_shared>>) offsets(%arg8 : memref<128xi32, #tpu.memory_space<vmem>>) semaphore(%run_scoped3A : memref<!tpu.dma_semaphore, #tpu.memory_space<semaphore_mem>>) {add = true}
        %dma_wait3A_23 = arith.constant 0 : i32
        %dma_wait3A_24 = arith.constant 0 : i32
        %dma_wait3A_25 = tpu.memref_slice %arg10[%dma_wait3A_23, %dma_wait3A_24] : memref<10112x128xf32, #tpu.memory_space<vmem_shared>> -> memref<10112x128xf32, #tpu.memory_space<vmem_shared>>
        tpu.wait_indirect_dma semaphore(%run_scoped3A : memref<!tpu.dma_semaphore, #tpu.memory_space<semaphore_mem>>) src(%arg9 : memref<128x128xf32, #tpu.memory_space<vmem>>) dst(%dma_wait3A_25 : memref<10112x128xf32, #tpu.memory_space<vmem_shared>>)
        tpu.yield
      }) : () -> ()
    }
    %scan3A_7 = arith.constant 80 : i32
    %barrier3A_8 = arith.constant 0 : index
    tpu.barrier barrier_id(%barrier3A_8)
    "tpu.region"() ({
      %run_scoped3A = tpu.sem_alloc : memref<!tpu.dma_semaphore, #tpu.memory_space<semaphore_mem>>
      %dma_start3A = arith.constant 0 : i32
      %dma_start3A_9 = tpu.memref_slice %arg6[%arg0, %multiple_of3A, %dma_start3A] : memref<2x10112x128xf32, #tpu.memory_space<hbm>> -> memref<1x632x128xf32, #tpu.memory_space<hbm>>
      %dma_start3A_10 = tpu.memref_squeeze %dma_start3A_9 : memref<1x632x128xf32, #tpu.memory_space<hbm>> -> memref<632x128xf32, #tpu.memory_space<hbm>>
      %dma_start3A_11 = arith.constant 0 : i32
      %dma_start3A_12 = tpu.memref_slice %arg10[%multiple_of3A, %dma_start3A_11] : memref<10112x128xf32, #tpu.memory_space<vmem_shared>> -> memref<632x128xf32, #tpu.memory_space<vmem_shared>>
      tpu.enqueue_dma source(%dma_start3A_12 : memref<632x128xf32, #tpu.memory_space<vmem_shared>>) target(%dma_start3A_10 : memref<632x128xf32, #tpu.memory_space<hbm>>) target_semaphore(%run_scoped3A : memref<!tpu.dma_semaphore, #tpu.memory_space<semaphore_mem>>)
      %dma_wait3A = arith.constant 0 : i32
      %dma_wait3A_13 = tpu.memref_slice %arg6[%arg0, %multiple_of3A, %dma_wait3A] : memref<2x10112x128xf32, #tpu.memory_space<hbm>> -> memref<1x632x128xf32, #tpu.memory_space<hbm>>
      %dma_wait3A_14 = tpu.memref_squeeze %dma_wait3A_13 : memref<1x632x128xf32, #tpu.memory_space<hbm>> -> memref<632x128xf32, #tpu.memory_space<hbm>>
      %dma_wait3A_15 = arith.constant 0 : i32
      %dma_wait3A_16 = tpu.memref_slice %arg10[%multiple_of3A, %dma_wait3A_15] : memref<10112x128xf32, #tpu.memory_space<vmem_shared>> -> memref<632x128xf32, #tpu.memory_space<vmem_shared>>
      tpu.wait_dma2 semaphore(%run_scoped3A : memref<!tpu.dma_semaphore, #tpu.memory_space<semaphore_mem>>) src(%dma_wait3A_16 : memref<632x128xf32, #tpu.memory_space<vmem_shared>>) dst(%dma_wait3A_14 : memref<632x128xf32, #tpu.memory_space<hbm>>)
      tpu.yield
    }) : () -> ()
    return
  }
}

module attributes {stable_mosaic.version = 14 : i64} {
  func.func @_prep_body(%arg0: i32, %arg1: memref<2x2000x128xf32, #tpu.memory_space<vmem>>, %arg2: memref<2000x128xf32, #tpu.memory_space<vmem>>, %arg3: memref<2000x1xf32, #tpu.memory_space<vmem>>, %arg4: memref<2000x1xf32, #tpu.memory_space<vmem>>, %arg5: memref<2000x128xf32, #tpu.memory_space<vmem>>) attributes {dimension_semantics = [#tpu.dimension_semantics<arbitrary>], iteration_bounds = array<i64: 5>, scalar_prefetch = 0 : i64, scratch_operands = 0 : i64, tpu.core_type = #tpu.core_type<tc>, window_params = [{transform_indices = @transform_0, window_bounds = array<i64: 2, 2000, 128>}, {transform_indices = @transform_1, window_bounds = array<i64: 2000, 128>}, {transform_indices = @transform_2, window_bounds = array<i64: 2000, 1>}, {transform_indices = @transform_3, window_bounds = array<i64: 2000, 1>}, {transform_indices = @transform_4, window_bounds = array<i64: 2000, 128>}]} {
    %get3A = arith.constant 0 : index
    %get3A_0 = arith.constant 0 : index
    %get3A_1 = arith.constant 0 : index
    %get3A_2 = vector.load %arg1[%get3A, %get3A_0, %get3A_1] : memref<2x2000x128xf32, #tpu.memory_space<vmem>>, vector<1x2000x1xf32>
    %get3A_3 = vector.shape_cast %get3A_2 : vector<1x2000x1xf32> to vector<2000x1xf32>
    %get3A_4 = arith.constant 1 : index
    %get3A_5 = arith.constant 0 : index
    %get3A_6 = arith.constant 0 : index
    %get3A_7 = vector.load %arg1[%get3A_4, %get3A_5, %get3A_6] : memref<2x2000x128xf32, #tpu.memory_space<vmem>>, vector<1x2000x1xf32>
    %get3A_8 = vector.shape_cast %get3A_7 : vector<1x2000x1xf32> to vector<2000x1xf32>
    %add3A = arith.addf %get3A_3, %get3A_8 : vector<2000x1xf32>
    %add3A_9 = arith.constant 1.000000e+00 : f32
    %add3A_10 = vector.broadcast %add3A_9 : f32 to vector<2000x1xf32>
    %add3A_11 = arith.addf %add3A, %add3A_10 : vector<2000x1xf32>
    %rsqrt3A = math.rsqrt %add3A_11 : vector<2000x1xf32>
    %swap3A = arith.constant 0 : index
    %swap3A_12 = arith.constant 0 : index
    %swap3A_13 = vector.load %arg3[%swap3A, %swap3A_12] : memref<2000x1xf32, #tpu.memory_space<vmem>>, vector<2000x1xf32>
    tpu.vector_store %arg3[%swap3A, %swap3A_12], %rsqrt3A {strides = array<i32>} : memref<2000x1xf32, #tpu.memory_space<vmem>>, vector<2000x1xf32>,
    %mul3A = arith.mulf %rsqrt3A, %rsqrt3A : vector<2000x1xf32>
    %swap3A_14 = arith.constant 0 : index
    %swap3A_15 = arith.constant 0 : index
    %swap3A_16 = vector.load %arg4[%swap3A_14, %swap3A_15] : memref<2000x1xf32, #tpu.memory_space<vmem>>, vector<2000x1xf32>
    tpu.vector_store %arg4[%swap3A_14, %swap3A_15], %mul3A {strides = array<i32>} : memref<2000x1xf32, #tpu.memory_space<vmem>>, vector<2000x1xf32>,
    %get3A_17 = arith.constant 0 : index
    %get3A_18 = arith.constant 0 : index
    %get3A_19 = vector.load %arg2[%get3A_17, %get3A_18] : memref<2000x128xf32, #tpu.memory_space<vmem>>, vector<2000x128xf32>
    %mul3A_20 = vector.broadcast %rsqrt3A : vector<2000x1xf32> to vector<2000x128xf32>
    %mul3A_21 = arith.mulf %mul3A_20, %get3A_19 : vector<2000x128xf32>
    %swap3A_22 = arith.constant 0 : index
    %swap3A_23 = arith.constant 0 : index
    %swap3A_24 = vector.load %arg5[%swap3A_22, %swap3A_23] : memref<2000x128xf32, #tpu.memory_space<vmem>>, vector<2000x128xf32>
    tpu.vector_store %arg5[%swap3A_22, %swap3A_23], %mul3A_21 {strides = array<i32>} : memref<2000x128xf32, #tpu.memory_space<vmem>>, vector<2000x128xf32>,
    return
  }
  func.func @transform_0(%arg0: i32) -> (i32, i32, i32) {
    %c0_i32 = arith.constant 0 : i32
    %c0_i32_0 = arith.constant 0 : i32
    %c0_i32_1 = arith.constant 0 : i32
    return %c0_i32, %arg0, %c0_i32_0 : i32, i32, i32
  }
  func.func @transform_1(%arg0: i32) -> (i32, i32) {
    %c0_i32 = arith.constant 0 : i32
    %c0_i32_0 = arith.constant 0 : i32
    return %arg0, %c0_i32 : i32, i32
  }
  func.func @transform_2(%arg0: i32) -> (i32, i32) {
    %c0_i32 = arith.constant 0 : i32
    %c0_i32_0 = arith.constant 0 : i32
    return %arg0, %c0_i32 : i32, i32
  }
  func.func @transform_3(%arg0: i32) -> (i32, i32) {
    %c0_i32 = arith.constant 0 : i32
    %c0_i32_0 = arith.constant 0 : i32
    return %arg0, %c0_i32 : i32, i32
  }
  func.func @transform_4(%arg0: i32) -> (i32, i32) {
    %c0_i32 = arith.constant 0 : i32
    %c0_i32_0 = arith.constant 0 : i32
    return %arg0, %c0_i32 : i32, i32
  }
}

module attributes {stable_mosaic.version = 14 : i64} {
  func.func @_merge_body(%arg0: i32, %arg1: memref<2x2000x128xf32, #tpu.memory_space<vmem>>, %arg2: memref<2000x128xf32, #tpu.memory_space<vmem>>, %arg3: memref<2000x1xf32, #tpu.memory_space<vmem>>, %arg4: memref<2000x128xf32, #tpu.memory_space<vmem>>) attributes {dimension_semantics = [#tpu.dimension_semantics<arbitrary>], iteration_bounds = array<i64: 5>, scalar_prefetch = 0 : i64, scratch_operands = 0 : i64, tpu.core_type = #tpu.core_type<tc>, window_params = [{transform_indices = @transform_0, window_bounds = array<i64: 2, 2000, 128>}, {transform_indices = @transform_1, window_bounds = array<i64: 2000, 128>}, {transform_indices = @transform_2, window_bounds = array<i64: 2000, 1>}, {transform_indices = @transform_3, window_bounds = array<i64: 2000, 128>}]} {
    %get3A = arith.constant 0 : index
    %get3A_0 = arith.constant 0 : index
    %get3A_1 = vector.load %arg3[%get3A, %get3A_0] : memref<2000x1xf32, #tpu.memory_space<vmem>>, vector<2000x1xf32>
    %get3A_2 = arith.constant 0 : index
    %get3A_3 = arith.constant 0 : index
    %get3A_4 = arith.constant 0 : index
    %get3A_5 = vector.load %arg1[%get3A_2, %get3A_3, %get3A_4] : memref<2x2000x128xf32, #tpu.memory_space<vmem>>, vector<1x2000x128xf32>
    %get3A_6 = vector.shape_cast %get3A_5 : vector<1x2000x128xf32> to vector<2000x128xf32>
    %get3A_7 = arith.constant 1 : index
    %get3A_8 = arith.constant 0 : index
    %get3A_9 = arith.constant 0 : index
    %get3A_10 = vector.load %arg1[%get3A_7, %get3A_8, %get3A_9] : memref<2x2000x128xf32, #tpu.memory_space<vmem>>, vector<1x2000x128xf32>
    %get3A_11 = vector.shape_cast %get3A_10 : vector<1x2000x128xf32> to vector<2000x128xf32>
    %add3A = arith.addf %get3A_6, %get3A_11 : vector<2000x128xf32>
    %get3A_12 = arith.constant 0 : index
    %get3A_13 = arith.constant 0 : index
    %get3A_14 = vector.load %arg2[%get3A_12, %get3A_13] : memref<2000x128xf32, #tpu.memory_space<vmem>>, vector<2000x128xf32>
    %add3A_15 = arith.addf %add3A, %get3A_14 : vector<2000x128xf32>
    %mul3A = vector.broadcast %get3A_1 : vector<2000x1xf32> to vector<2000x128xf32>
    %mul3A_16 = arith.mulf %mul3A, %add3A_15 : vector<2000x128xf32>
    %swap3A = arith.constant 0 : index
    %swap3A_17 = arith.constant 0 : index
    %swap3A_18 = vector.load %arg4[%swap3A, %swap3A_17] : memref<2000x128xf32, #tpu.memory_space<vmem>>, vector<2000x128xf32>
    tpu.vector_store %arg4[%swap3A, %swap3A_17], %mul3A_16 {strides = array<i32>} : memref<2000x128xf32, #tpu.memory_space<vmem>>, vector<2000x128xf32>,
    return
  }
  func.func @transform_0(%arg0: i32) -> (i32, i32, i32) {
    %c0_i32 = arith.constant 0 : i32
    %c0_i32_0 = arith.constant 0 : i32
    %c0_i32_1 = arith.constant 0 : i32
    return %c0_i32, %arg0, %c0_i32_0 : i32, i32, i32
  }
  func.func @transform_1(%arg0: i32) -> (i32, i32) {
    %c0_i32 = arith.constant 0 : i32
    %c0_i32_0 = arith.constant 0 : i32
    return %arg0, %c0_i32 : i32, i32
  }
  func.func @transform_2(%arg0: i32) -> (i32, i32) {
    %c0_i32 = arith.constant 0 : i32
    %c0_i32_0 = arith.constant 0 : i32
    return %arg0, %c0_i32 : i32, i32
  }
  func.func @transform_3(%arg0: i32) -> (i32, i32) {
    %c0_i32 = arith.constant 0 : i32
    %c0_i32_0 = arith.constant 0 : i32
    return %arg0, %c0_i32 : i32, i32
  }
}

module attributes {stable_mosaic.version = 14 : i64} {
  func.func @_final_body(%arg0: i32, %arg1: memref<2x2000x128xf32, #tpu.memory_space<vmem>>, %arg2: memref<2000x128xf32, #tpu.memory_space<vmem>>, %arg3: memref<2000x1xf32, #tpu.memory_space<vmem>>, %arg4: memref<128x128xf32, #tpu.memory_space<vmem>>, %arg5: memref<1x128xf32, #tpu.memory_space<vmem>>, %arg6: memref<128x128xf32, #tpu.memory_space<vmem>>, %arg7: memref<1x128xf32, #tpu.memory_space<vmem>>, %arg8: memref<2000x128xf32, #tpu.memory_space<vmem>>) attributes {dimension_semantics = [#tpu.dimension_semantics<arbitrary>], iteration_bounds = array<i64: 5>, scalar_prefetch = 0 : i64, scratch_operands = 0 : i64, tpu.core_type = #tpu.core_type<tc>, window_params = [{transform_indices = @transform_0, window_bounds = array<i64: 2, 2000, 128>}, {transform_indices = @transform_1, window_bounds = array<i64: 2000, 128>}, {transform_indices = @transform_2, window_bounds = array<i64: 2000, 1>}, {pipeline_mode = #tpu.pipeline_mode<synchronous>, transform_indices = @transform_3, window_bounds = array<i64: 128, 128>}, {pipeline_mode = #tpu.pipeline_mode<synchronous>, transform_indices = @transform_4, window_bounds = array<i64: 1, 128>}, {pipeline_mode = #tpu.pipeline_mode<synchronous>, transform_indices = @transform_5, window_bounds = array<i64: 128, 128>}, {pipeline_mode = #tpu.pipeline_mode<synchronous>, transform_indices = @transform_6, window_bounds = array<i64: 1, 128>}, {transform_indices = @transform_7, window_bounds = array<i64: 2000, 128>}]} {
    %get3A = arith.constant 0 : index
    %get3A_0 = arith.constant 0 : index
    %get3A_1 = vector.load %arg3[%get3A, %get3A_0] : memref<2000x1xf32, #tpu.memory_space<vmem>>, vector<2000x1xf32>
    %get3A_2 = arith.constant 0 : index
    %get3A_3 = arith.constant 0 : index
    %get3A_4 = arith.constant 0 : index
    %get3A_5 = vector.load %arg1[%get3A_2, %get3A_3, %get3A_4] : memref<2x2000x128xf32, #tpu.memory_space<vmem>>, vector<1x2000x128xf32>
    %get3A_6 = vector.shape_cast %get3A_5 : vector<1x2000x128xf32> to vector<2000x128xf32>
    %get3A_7 = arith.constant 1 : index
    %get3A_8 = arith.constant 0 : index
    %get3A_9 = arith.constant 0 : index
    %get3A_10 = vector.load %arg1[%get3A_7, %get3A_8, %get3A_9] : memref<2x2000x128xf32, #tpu.memory_space<vmem>>, vector<1x2000x128xf32>
    %get3A_11 = vector.shape_cast %get3A_10 : vector<1x2000x128xf32> to vector<2000x128xf32>
    %add3A = arith.addf %get3A_6, %get3A_11 : vector<2000x128xf32>
    %get3A_12 = arith.constant 0 : index
    %get3A_13 = arith.constant 0 : index
    %get3A_14 = vector.load %arg2[%get3A_12, %get3A_13] : memref<2000x128xf32, #tpu.memory_space<vmem>>, vector<2000x128xf32>
    %add3A_15 = arith.addf %add3A, %get3A_14 : vector<2000x128xf32>
    %mul3A = vector.broadcast %get3A_1 : vector<2000x1xf32> to vector<2000x128xf32>
    %mul3A_16 = arith.mulf %mul3A, %add3A_15 : vector<2000x128xf32>
    %get3A_17 = arith.constant 0 : index
    %get3A_18 = arith.constant 0 : index
    %get3A_19 = vector.load %arg4[%get3A_17, %get3A_18] : memref<128x128xf32, #tpu.memory_space<vmem>>, vector<128x128xf32>
    %dot_general3A = arith.constant dense<0.000000e+00> : vector<2000x128xf32>
    %dot_general3A_20 = tpu.matmul %mul3A_16, %get3A_19, %dot_general3A {dimension_numbers = #tpu.dot_dimension_numbers<[1], [1], [0], [0], [0, 0, 1, 0], [], []>, transpose_lhs_hint = false} : vector<2000x128xf32>, vector<128x128xf32>, vector<2000x128xf32> -> vector<2000x128xf32>
    %get3A_21 = arith.constant 0 : index
    %get3A_22 = arith.constant 0 : index
    %get3A_23 = vector.load %arg5[%get3A_21, %get3A_22] : memref<1x128xf32, #tpu.memory_space<vmem>>, vector<1x128xf32>
    %add3A_24 = vector.broadcast %get3A_23 : vector<1x128xf32> to vector<2000x128xf32>
    %add3A_25 = arith.addf %dot_general3A_20, %add3A_24 : vector<2000x128xf32>
    %max3A = arith.constant 0.000000e+00 : f32
    %max3A_26 = vector.broadcast %max3A : f32 to vector<2000x128xf32>
    %max3A_27 = arith.maximumf %add3A_25, %max3A_26 : vector<2000x128xf32>
    %get3A_28 = arith.constant 0 : index
    %get3A_29 = arith.constant 0 : index
    %get3A_30 = vector.load %arg6[%get3A_28, %get3A_29] : memref<128x128xf32, #tpu.memory_space<vmem>>, vector<128x128xf32>
    %dot_general3A_31 = arith.constant dense<0.000000e+00> : vector<2000x128xf32>
    %dot_general3A_32 = tpu.matmul %max3A_27, %get3A_30, %dot_general3A_31 {dimension_numbers = #tpu.dot_dimension_numbers<[1], [1], [0], [0], [0, 0, 1, 0], [], []>, transpose_lhs_hint = false} : vector<2000x128xf32>, vector<128x128xf32>, vector<2000x128xf32> -> vector<2000x128xf32>
    %get3A_33 = arith.constant 0 : index
    %get3A_34 = arith.constant 0 : index
    %get3A_35 = vector.load %arg7[%get3A_33, %get3A_34] : memref<1x128xf32, #tpu.memory_space<vmem>>, vector<1x128xf32>
    %add3A_36 = vector.broadcast %get3A_35 : vector<1x128xf32> to vector<2000x128xf32>
    %add3A_37 = arith.addf %dot_general3A_32, %add3A_36 : vector<2000x128xf32>
    %reduce_max3A = arith.constant dense<0xFF800000> : vector<2000xf32>
    %reduce_max3A_38 = vector.multi_reduction <maximumf>, %add3A_37, %reduce_max3A [1] : vector<2000x128xf32> to vector<2000xf32>
    %broadcast_in_dim3A = vector.shape_cast %reduce_max3A_38 : vector<2000xf32> to vector<2000x1xf32>
    %sub3A = vector.broadcast %broadcast_in_dim3A : vector<2000x1xf32> to vector<2000x128xf32>
    %sub3A_39 = arith.subf %add3A_37, %sub3A : vector<2000x128xf32>
    %exp3A = math.exp %sub3A_39 : vector<2000x128xf32>
    %reduce_sum3A = arith.constant dense<0.000000e+00> : vector<2000xf32>
    %reduce_sum3A_40 = vector.multi_reduction <add>, %exp3A, %reduce_sum3A [1] : vector<2000x128xf32> to vector<2000xf32>
    %broadcast_in_dim3A_41 = vector.shape_cast %reduce_sum3A_40 : vector<2000xf32> to vector<2000x1xf32>
    %log3A = math.log %broadcast_in_dim3A_41 : vector<2000x1xf32>
    %sub3A_42 = vector.broadcast %log3A : vector<2000x1xf32> to vector<2000x128xf32>
    %sub3A_43 = arith.subf %sub3A_39, %sub3A_42 : vector<2000x128xf32>
    %swap3A = arith.constant 0 : index
    %swap3A_44 = arith.constant 0 : index
    %swap3A_45 = vector.load %arg8[%swap3A, %swap3A_44] : memref<2000x128xf32, #tpu.memory_space<vmem>>, vector<2000x128xf32>
    tpu.vector_store %arg8[%swap3A, %swap3A_44], %sub3A_43 {strides = array<i32>} : memref<2000x128xf32, #tpu.memory_space<vmem>>, vector<2000x128xf32>,
    return
  }
  func.func @transform_0(%arg0: i32) -> (i32, i32, i32) {
    %c0_i32 = arith.constant 0 : i32
    %c0_i32_0 = arith.constant 0 : i32
    %c0_i32_1 = arith.constant 0 : i32
    return %c0_i32, %arg0, %c0_i32_0 : i32, i32, i32
  }
  func.func @transform_1(%arg0: i32) -> (i32, i32) {
    %c0_i32 = arith.constant 0 : i32
    %c0_i32_0 = arith.constant 0 : i32
    return %arg0, %c0_i32 : i32, i32
  }
  func.func @transform_2(%arg0: i32) -> (i32, i32) {
    %c0_i32 = arith.constant 0 : i32
    %c0_i32_0 = arith.constant 0 : i32
    return %arg0, %c0_i32 : i32, i32
  }
  func.func @transform_3(%arg0: i32) -> (i32, i32) {
    %c0_i32 = arith.constant 0 : i32
    %c0_i32_0 = arith.constant 0 : i32
    %c0_i32_1 = arith.constant 0 : i32
    return %c0_i32, %c0_i32_0 : i32, i32
  }
  func.func @transform_4(%arg0: i32) -> (i32, i32) {
    %c0_i32 = arith.constant 0 : i32
    %c0_i32_0 = arith.constant 0 : i32
    %c0_i32_1 = arith.constant 0 : i32
    return %c0_i32, %c0_i32_0 : i32, i32
  }
  func.func @transform_5(%arg0: i32) -> (i32, i32) {
    %c0_i32 = arith.constant 0 : i32
    %c0_i32_0 = arith.constant 0 : i32
    %c0_i32_1 = arith.constant 0 : i32
    return %c0_i32, %c0_i32_0 : i32, i32
  }
  func.func @transform_6(%arg0: i32) -> (i32, i32) {
    %c0_i32 = arith.constant 0 : i32
    %c0_i32_0 = arith.constant 0 : i32
    %c0_i32_1 = arith.constant 0 : i32
    return %c0_i32, %c0_i32_0 : i32, i32
  }
  func.func @transform_7(%arg0: i32) -> (i32, i32) {
    %c0_i32 = arith.constant 0 : i32
    %c0_i32_0 = arith.constant 0 : i32
    return %arg0, %c0_i32 : i32, i32
  }
}

</mosaic_0001>

<sc_bundles>
// kernel: kernel.10.cloned.1.call-start
scs
__scs_entry_jumppad:
0x0: {  	(pc) =	sbr.rel $0x88, $3  }
0x1: {  	(tag) =	ssettag $0x0;
	lr =	simm.s32 $0x1  }
0x2: {  	[smem:$0x3F9B] =	sst lr;
	_ =	strace $0xD0000000  }
0x3: {  	_ = 	snop  }
0x4: {  	_ = 	snop  }
0x5: {  	_ = 	snop  }
0x6: {  	_ = 	snop  }
0x7: {  	_ = 	snop  }
__scs_overlays_trampoline_lowered:
0x8: {  	[smem:$0x3FAA] =	sst s0  }
0x9: {  	[smem:$0x3FAB] =	sst s1  }
0xa: {  	[smem:$0x3FAC] =	sst s2  }
0xb: {  	[smem:$0x3FAD] =	sst s3  }
0xc: {  	[smem:$0x3FAE] =	sst s4  }
0xd: {  	[smem:$0x3FAF] =	sst s5  }
0xe: {  	[smem:$0x3FB0] =	sst s6  }
0xf: {  	[smem:$0x3FB1] =	sst s7  }
0x10: {  	[smem:$0x3FB2] =	sst s8  }
0x11: {  	[smem:$0x3FB3] =	sst s9;
	s0 =	simm.s32 @!p0 $0x0  }
0x12: {  	s1 =	sld [smem:$0x3F99];
	s0 =	simm.s32 @p0 $0x1  }
0x13: {  	[smem:$0x3FB4] =	sst s0;
	s0 =	simm.s32 @!p1 $0x0  }
0x14: {  	s2 =	sld [smem:$0x3F98];
	s0 =	simm.s32 @p1 $0x1  }
0x15: {  	[smem:$0x3FB5] =	sst s0;
	s0 =	simm.s32 @!p2 $0x0  }
0x16: {  	s3 =	sld [smem:$0x3FDB];
	s0 =	simm.s32 @p2 $0x1  }
0x17: {  	s4 =	simm.s32 $0x1BF5;
	[smem:$0x3FB7] =	sst s0  }
0x18: {  	s0 =	sld [smem:$0x3F9A];
	_ =	swait.ge [sflag:s4], $0x0  }
0x19: {  	s7 =	sld [smem:$0x3F9B]  }
0x1a: {  	s8 =	sadd.s32 $0xFFFFE003, lr  }
0x1b: {  	s9 =	sadd.s32 $0xFFFFFEF7, lr;
	s5 =	simm.s32 $0xFFFFFFFF;
	p2 =	slt.u32 s8, $0xFFFFF086  }
0x1c: {  	p1 =	slt.u32 s9, $0xF7A;
	s5 =	simm.s32 @!p2 $0x0  }
0x1d: {  	s5 =	simm.s32 @p1 $0x1;
	p0 =	seq.s32 s7, s2  }
0x1e: {  	s7 =	smul.u32 @!p0 $0xF7A, s2;
	p2 =	seq.s32 @!p0 s5, $0x0  }
0x1f: {  	s9 =	smul.u32 $0xF7A, s1;
	s8 =	simm.s32 @!p0 $0x1BF5;
	p2 =	por !p2, p0  }
0x20: {  	[sflag:s8] =	ssyncset.s32 @!p0 $0xFFFFF086;
	s6 =	sadd.s32 @!p0 s3, s7;
	s7 =	simm.s32 @!p0 $0x108  }
0x21: {  	s3 =	sadd.s32 s3, s9;
	s6 =	sadd.s32 @!p0 $0x88, s6;
	s7 =	simm.s32 @p2 $0x1082  }
0x22: {  	[simem:s7], [sflag:s8] =	dma.local @!p0 [hbm:s6], $0xF7A  }
0x23: {  	s9 =	sor.u32 $0xD0000000, s2;
	s6 =	simm.s32 $0x108;
	_ =	swait.ge @!p0 [sflag:s8], $0x0  }
0x24: {  	s3 =	sadd.s32 $0x88, s3;
	s6 =	simm.s32 @!p1 $0x1082;
	[sflag:s4] =	ssyncset.s32 $0xFFFFF086  }
0x25: {  	[simem:s6], [sflag:s4] =	dma.local [hbm:s3], $0xF7A  }
0x26: {  	[smem:$0x3F9B] =	sst s1;
	(tag) =	ssettag s2;
	_ =	strace s9  }
0x27: {  	s1 =	sld [smem:$0x3FAB]  }
0x28: {  	s2 =	sld [smem:$0x3FAC]  }
0x29: {  	s4 =	sld [smem:$0x3FAE]  }
0x2a: {  	p0 =	seq.s32 s5, $0x0;
	s5 =	sld [smem:$0x3FAF]  }
0x2b: {  	s6 =	sld [smem:$0x3FB0]  }
0x2c: {  	s7 =	sld [smem:$0x3FB1]  }
0x2d: {  	s3 =	simm.s32 $0x108;
	s8 =	sld [smem:$0x3FB2]  }
0x2e: {  	s3 =	simm.s32 @!p0 $0x1082;
	s9 =	sld [smem:$0x3FB3]  }
0x2f: {  	lr =	sadd.s32 s0, s3;
	s0 =	sld [smem:$0x3FAA]  }
0x30: {  	s3 =	sld [smem:$0x3FAD]  }
0x31: {  	[smem:$0x3FB6] =	sst s10  }
0x32: {  	s10 =	sld [smem:$0x3FB4];
	_ =	sdelay $0x3  }
0x33: {  	p0 =	seq.s32 s10, $0x1;
	s10 =	sld [smem:$0x3FB6];
	_ =	sdelay $0x3  }
0x34: {  	[smem:$0x3FB6] =	sst s10  }
0x35: {  	s10 =	sld [smem:$0x3FB5];
	_ =	sdelay $0x3  }
0x36: {  	p1 =	seq.s32 s10, $0x1;
	s10 =	sld [smem:$0x3FB6];
	_ =	sdelay $0x3  }
0x37: {  	[smem:$0x3FB6] =	sst s10  }
0x38: {  	s10 =	sld [smem:$0x3FB7]  }
0x39: {  	_ = 	snop;
	(pc) =	sbr.ind lr, $3  }
0x3a: {  	_ = 	snop  }
0x3b: {  	_ = 	snop  }
0x3c: {  	p2 =	seq.s32 s10, $0x1;
	s10 =	sld [smem:$0x3FB6]  }
0x3d: {  	_ =	shalt  }
0x3e: {  	_ =	shalt  }
0x3f: {  	_ =	shalt  }
0x40: {  	_ =	shalt  }
0x41: {  	_ =	shalt  }
0x42: {  	_ =	shalt  }
0x43: {  	_ =	shalt  }
0x44: {  	_ =	shalt  }
0x45: {  	_ =	shalt  }
0x46: {  	_ =	shalt  }
0x47: {  	_ =	shalt  }
0x48: {  	_ =	shalt  }
0x49: {  	_ =	shalt  }
0x4a: {  	_ =	shalt  }
0x4b: {  	_ =	shalt  }
0x4c: {  	_ =	shalt  }
0x4d: {  	_ =	shalt  }
0x4e: {  	_ =	shalt  }
0x4f: {  	_ =	shalt  }
0x50: {  	_ =	shalt  }
0x51: {  	_ =	shalt  }
0x52: {  	_ =	shalt  }
0x53: {  	_ =	shalt  }
0x54: {  	_ =	shalt  }
0x55: {  	_ =	shalt  }
0x56: {  	_ =	shalt  }
0x57: {  	_ =	shalt  }
0x58: {  	_ =	shalt  }
0x59: {  	_ =	shalt  }
0x5a: {  	_ =	shalt  }
0x5b: {  	_ =	shalt  }
0x5c: {  	_ =	shalt  }
0x5d: {  	_ =	shalt  }
0x5e: {  	_ =	shalt  }
0x5f: {  	_ =	shalt  }
0x60: {  	_ =	shalt  }
0x61: {  	_ =	shalt  }
0x62: {  	_ =	shalt  }
0x63: {  	_ =	shalt  }
0x64: {  	_ =	shalt  }
0x65: {  	_ =	shalt  }
0x66: {  	_ =	shalt  }
0x67: {  	_ =	shalt  }
0x68: {  	_ =	shalt  }
0x69: {  	_ =	shalt  }
0x6a: {  	_ =	shalt  }
0x6b: {  	_ =	shalt  }
0x6c: {  	_ =	shalt  }
0x6d: {  	_ =	shalt  }
0x6e: {  	_ =	shalt  }
0x6f: {  	_ =	shalt  }
0x70: {  	_ =	shalt  }
0x71: {  	_ =	shalt  }
0x72: {  	_ =	shalt  }
0x73: {  	_ =	shalt  }
0x74: {  	_ =	shalt  }
0x75: {  	_ =	shalt  }
0x76: {  	_ =	shalt  }
0x77: {  	_ =	shalt  }
0x78: {  	_ =	shalt  }
0x79: {  	_ =	shalt  }
0x7a: {  	_ =	shalt  }
0x7b: {  	_ =	shalt  }
0x7c: {  	_ =	shalt  }
0x7d: {  	_ =	shalt  }
0x7e: {  	_ =	shalt  }
0x7f: {  	_ =	shalt  }
0x80: {  	_ =	shalt  }
0x81: {  	_ =	shalt  }
0x82: {  	_ =	shalt  }
0x83: {  	_ =	shalt  }
0x84: {  	_ =	shalt  }
0x85: {  	_ =	shalt  }
0x86: {  	_ =	shalt  }
0x87: {  	_ =	shalt  }
.Lfunc_end0:
.L_simem_size_0:
called_computation_lowered:
.L_overlay_start_0:
0x88: {  	s2 =	sld [smem:$0x3FD9]  }
0x89: {  	s3 =	sld [smem:$0x3FFE];
	_ =	sdelay $0x1  }
0x8a: {  	s1 =	srdreg.scid  }
0x8b: {  	s0 =	sand.u32 $0x1, s1  }
0x8c: {  	s17 =	sshll.u32 s0, $0xA;
	s2 =	sadd.s32 s3, s2  }
0x8d: {  	s2 =	sadd.s32 s2, s17  }
0x8e: {  	[smem:$0x3FC2] =	sst s2  }
0x8f: {  	_ = 	snop  }
0x90: {  	s2 =	sld [smem:$0x3FD0];
	(tm) =	ssettm $0x1  }
0x91: {  	s18 =	sld [smem:$0x3FFB];
	_ =	sdelay $0x3  }
0x92: {  	_ =	strace s18  }
0x93: {  	s3 =	sld [smem:$0x3FFC];
	_ =	sdelay $0x3  }
0x94: {  	_ =	strace s3  }
0x95: {  	s3 =	sld [smem:$0x3FFD];
	_ =	sdelay $0x3  }
0x96: {  	_ =	strace s3  }
0x97: {  	_ =	strace $0x8FFFFFFF  }
0x98: {  	s19 =	sld [smem:$0x3FDB];
	_ =	sdelay $0x1  }
0x99: {  	s4 =	simm.s32 $_scs_section_size  }
0x9a: {  	s5 =	simm.s32 $_size__tile_overlayer_lowered;
	s6 =	simm.s32 $_tile_overlayer_lowered  }
0x9b: {  	s22 =	simm.s32 $0x1BFF;
	s21 =	sshll.u32 s6, $0x1;
	s3 =	sadd.s32 s4, s19  }
0x9c: {  	s7 =	simm.s32 $0x0;
	s20 =	sshll.u32 s5, $0x1;
	s5 =	sadd.s32 s21, s3  }
0x9d: {  	[timem:s7], [sflag:s22] =	dma.local [hbm:s5], s20  }
0x9e: {  	_ =	swait.ge [sflag:s22], s20  }
0x9f: {  	s4 =	ssub.s32 $0x0, s20;
	[sflag:s22] =	ssyncset.done $0x0  }
0xa0: {  	[sflag:s22] =	ssyncadd.s32 s4;
	_ =	sdelay $0x1  }
0xa1: {  	s23 =	simm.s32 $0x1B8B  }
0xa2: {  	_ =	swait.ge [sflag:s23], $0x1  }
0xa3: {  	[sflag:s23] =	ssyncset.done $0x0  }
0xa4: {  	s25 =	simm.s32 $0x1B8E;
	s24 =	sld [smem:$0x3FFE];
	[sflag:s23] =	ssyncadd.s32 $0xFFFFFFFF  }
0xa5: {  	s26 =	simm.s32 $execute0_lowered;
	[smem:$0x3FD2] =	sst s25  }
0xa6: {  	s5 =	sshll.u32 s26, $0x1;
	_ =	strace $0x80000046;
	[dreg:$0x1] =	wrdreg $0xFFFFFFFF  }
0xa7: {  	s28 =	simm.s32 $_size_execute0_lowered;
	s3 =	sadd.s32 s3, s5;
	[dreg:$0x0] =	wrdreg $0x0  }
0xa8: {  	s5 =	sshll.u32 s28, $0x1;
	[dreg:$0x2] =	wrdreg s3  }
0xa9: {  	[dreg:$0x3] =	wrdreg s5  }
0xaa: {  	[dreg:$0x4] =	wrdreg $0xC0  }
0xab: {  	_ =	task [dreg:s7], $0x5FFFF  }
0xac: {  	[dreg:$0x1] =	wrdreg $0xFFFFFFFF  }
0xad: {  	[dreg:$0x0] =	wrdreg $0x60  }
0xae: {  	[dreg:$0x2] =	wrdreg s24  }
0xaf: {  	[dreg:$0x3] =	wrdreg s2  }
0xb0: {  	[dreg:$0x4] =	wrdreg $0x68000  }
0xb1: {  	[dreg:$0x5] =	wrdreg $0x9  }
0xb2: {  	_ =	task.clear_ibuf [dreg:s7], $0x6FFFF;
	_ =	strace $0x90000046  }
0xb3: {  	s29 =	simm.s32 $0x9;
	_ =	strace $0x80000048  }
0xb4: {  	_ =	swait.ge [sflag:s29], $0x1  }
0xb5: {  	[sflag:s29] =	ssyncadd.s32 $0xFFFFFFFF  }
0xb6: {  	_ =	strace $0x90000048  }
0xb7: {  	_ =	sfence  }
0xb8: {  	s30 =	sld [smem:$0x0];
	_ =	sdelay $0x2  }
0xb9: {  	s31 =	sshll.u32 s1, $0xD;
	s1 =	sshrl.u32 s1, $0x2  }
0xba: {  	s3 =	sand.u32 $0x4000, s31;
	s1 =	sadd.s32 s1, s30  }
0xbb: {  	s0 =	sor.u32 s3, s0;
	s1 =	sshll.u32 s1, $0x11  }
0xbc: {  	s0 =	sor.u32 s1, s0  }
0xbd: {  	s0 =	sadd.s32 $0x8F2B, s0  }
0xbe: {  	[sflag:s0] =	ssyncadd.remote.s32 $0x1  }
0xbf: {  	_ =	sfence.sel $0xFFFF  }
0xc0: {  	[dreg:$0x0] =	wrdreg $0xFFFFFFFF;
	(pc) =	sbr.abs _section_cstart, $3  }
0xc1: {  	[dreg:$0x1] =	wrdreg $0xFFFFFFFF  }
0xc2: {  	_ =	task.clear_ibuf [dreg:s7], $0x2FFFF;
	_ =	strace $0x9FFFFFFF  }
0xc3: {  	(tm) =	ssettm $0x7FFFFFFF  }
tec
execute0_lowered:
.L_overlay_start_1:
0x0: {  	(tag) =	ssettag $0x1  }
0x1: {  	s6 =	rddreg [dreg:$0x0]  }
0x2: {  	s2 =	rddreg [dreg:$0x1]  }
0x3: {  	s0 =	srdreg.scid;
	s3 =	rddreg [dreg:$0x2];
	s4 =	simm.s32 $0x0  }
0x4: {  	s13 =	simm.s32 $0x80;
	s5 =	sand.u32 $0x1, s0;
	s0 =	stileid.u32  }
0x5: {  	s14 =	simm.s32 $0x0;
	[smem:$0x7FF] =	sst s4;
	s8 =	smul.u32 $0x13C00, s0  }
0x6: {  	s1 =	sshll.u32 s5, $0x4;
	s9 =	smul.u32 $0x13C000, s5;
	s5 =	ssub.s32 $0x2, s5  }
0x7: {  	s29 =	smul.u32 $0x4F000, s0;
	s31 =	sshll.u32 s0, $0x6;
	s1 =	sor.u32 s0, s1  }
0x8: {  	s11 =	sshrl.u32 s5, $0x1;
	s7 =	smul.u32 $0x500, s1;
	s1 =	rddreg [dreg:$0x3]  }
0x9: {  	_ =	strace $0x80000047;
	s10 =	sshrl.u32 s8, $0x3;
	s8 =	sadd.s32 s8, s9  }
0xa: {  	s11 =	ssub.s32 s5, s11;
	s30 =	sshrl.u32 s29, $0x2;
	s10 =	sadd.s32 s10, s6  }
0xb: {  	s8 =	sshrl.u32 s8, $0x3;
	s12 =	sadd.s32 s30, s3;
	s9 =	smax.u32 s11, $0x1  }
0xc: {  	s11 =	simm.s32 $0x1;
	s7 =	sadd.s32 s7, s6;
	s8 =	sadd.s32 s8, s6  }
0xd: {  	s5 =	sadd.s32 $0xCE00, s10;
	s6 =	sor.u32 $0x1C01, s31;
	s10 =	sshrl.u32 s12, $0x3  }
0xe: {  	s12 =	simm.s32 $0x2800;
	s7 =	sadd.s32 $0x2E00, s7;
	s8 =	sadd.s32 $0x34600, s8  }
.LBB2_1:
0xf: {  	[spmem:s10], [sflag:s6] =	dma.local [hbm:s5], $0x2780  }
0x10: {  	_ =	swait.ge [sflag:s11], $0x2780  }
0x11: {  	[sflag:s11] =	ssyncset.done $0x0  }
0x12: {  	[sflag:s11] =	ssyncadd.s32 $0xFFFFD880  }
0x13: {  	[tilespmem:s4], [sflag:$0x1] =	stream.linear.gather [hbm4b:s7+s4], $0x2800, $0x38;
	[tilespmem:$0x1A400] =	vst v63  }
0x14: {  	_ =	swait.ge [sflag:s11], $0x2800  }
0x15: {  	[sflag:s11] =	ssyncset.done $0x0  }
0x16: {  	[sflag:s11] =	ssyncadd.s32 $0xFFFFD800  }
0x17: {  	[tilespmem:s12], [sflag:$0x1] =	stream.linear.gather [hbm4b:s2+s4], $0x4000, $0x38;
	[tilespmem:$0x1A400] =	vst v63  }
0x18: {  	_ =	swait.ge [sflag:s11], $0x4000  }
0x19: {  	[sflag:s11] =	ssyncset.done $0x0  }
0x1a: {  	[sflag:s11] =	ssyncadd.s32 $0xFFFFC000  }
0x1b: {  	s15 =	simm.s32 $0x0;
	[bflag:$0x0] =	sbarrier.arrive $0xFFFF  }
0x1c: {  	[spmem:s3] =	stream.indirect.scatter.add.f32 [tilespmem:s12], [sflag:$0x1], $0x80, s15, s13, $0xb8;
	[tilespmem:$0x1A400] =	vst v63  }
0x1d: {  	_ =	swait.ge [sflag:s11], $0x4000  }
0x1e: {  	s15 =	simm.s32 $0x200;
	[sflag:s11] =	ssyncset.done $0x0  }
.LBB2_2:
0x1f: {  	s16 =	sshra.s32 s15, $0x2;
	[sflag:s11] =	ssyncadd.s32 $0xFFFFC000;
	p0 =	sne.s32 s15, $0x9E00  }
0x20: {  	[spmem:s3] =	stream.indirect.scatter.add.f32 [tilespmem:s12], [sflag:$0x1], $0x80, s16, s13, $0xb8;
	[tilespmem:$0x1A400] =	vst v63  }
.Ltmp0:
0x21: {  	_ = 	snop;
	(pc) =	sbr.rel @p0 .LBB2_2-.Ltmp0, $4  }
0x22: {  	_ = 	snop  }
0x23: {  	s15 =	sadd.s32 $0x200, s15  }
0x24: {  	_ =	swait.ge [sflag:s11], $0x4000  }
0x25: {  	[sflag:s11] =	ssyncset.done $0x0  }
0x26: {  	s14 =	sadd.s32 $0x1, s14  }
0x27: {  	[sflag:s11] =	ssyncadd.s32 $0xFFFFC000;
	p0 =	sne.s32 s14, s9  }
.Ltmp1:
0x28: {  	[bflag:$0x0] =	sbarrier.arrive $0xFFFF;
	(pc) =	sbr.rel @p0 .LBB2_1-.Ltmp1, $4  }
0x29: {  	[hbm:s8], [sflag:s6] =	dma.local [spmem:s10], $0x2780  }
0x2a: {  	_ =	swait.ge [sflag:s11], $0x2780  }
0x2b: {  	[sflag:s11] =	ssyncset.done $0x0  }
0x2c: {  	[sflag:s11] =	ssyncadd.s32 $0xFFFFD880  }
0x2d: {  	_ =	sfence.sel $0x180000  }
0x2e: {  	[bflag:$0x0] =	sbarrier.arrive $0xFFFF  }
0x2f: {  	p0 =	sne.s32 s0, $0x0;
	_ =	strace $0x90000047  }
0x30: {  	s0 =	sadd.s32 @!p0 $0x100000, s1;
	[bflag:$0x2] =	sbarrier.arrive $0xFFFF  }
0x31: {  	[sflag:s0] =	ssyncadd.tile.s32 @!p0 $0x1;
	_ =	shalt  }
.Lfunc_end2:
_tile_overlayer_lowered:
.L_overlay_start_2:
0x32: {  	(tag) =	ssettag $0x2  }
0x33: {  	s0 =	rddreg [dreg:$0x0];
	s2 =	stileid.u32  }
0x34: {  	s1 =	rddreg [dreg:$0x1];
	p0 =	sne.s32 s2, $0x0  }
0x35: {  	s3 =	rddreg [dreg:$0x2];
	[bflag:$0x3] =	sbarrier.arrive $0xFFFF;
	s2 =	simm.s32 @!p0 $0x1C01  }
0x36: {  	[timem:s3], [sflag:s2] =	dma.local @!p0 [hbm:s0], s1  }
0x37: {  	s0 =	simm.s32 @!p0 $0x1  }
0x38: {  	_ =	swait.ge @!p0 [sflag:s0], s1  }
0x39: {  	s1 =	ssub.s32 @!p0 $0x0, s1;
	[sflag:s0] =	ssyncset.done @!p0 $0x0  }
0x3a: {  	[sflag:s0] =	ssyncadd.s32 @!p0 s1  }
0x3b: {  	[bflag:$0x3] =	sbarrier.arrive $0xFFFF  }
0x3c: {  	_ =	shalt  }

// kernel: kernel.13.cloned.1.call-start
scs
__scs_entry_jumppad:
0x0: {  	(pc) =	sbr.rel $0x88, $3  }
0x1: {  	(tag) =	ssettag $0x0;
	lr =	simm.s32 $0x1  }
0x2: {  	[smem:$0x3F9B] =	sst lr;
	_ =	strace $0xD0000000  }
0x3: {  	_ = 	snop  }
0x4: {  	_ = 	snop  }
0x5: {  	_ = 	snop  }
0x6: {  	_ = 	snop  }
0x7: {  	_ = 	snop  }
__scs_overlays_trampoline_lowered:
0x8: {  	[smem:$0x3FAA] =	sst s0  }
0x9: {  	[smem:$0x3FAB] =	sst s1  }
0xa: {  	[smem:$0x3FAC] =	sst s2  }
0xb: {  	[smem:$0x3FAD] =	sst s3  }
0xc: {  	[smem:$0x3FAE] =	sst s4  }
0xd: {  	[smem:$0x3FAF] =	sst s5  }
0xe: {  	[smem:$0x3FB0] =	sst s6  }
0xf: {  	[smem:$0x3FB1] =	sst s7  }
0x10: {  	[smem:$0x3FB2] =	sst s8  }
0x11: {  	[smem:$0x3FB3] =	sst s9;
	s0 =	simm.s32 @!p0 $0x0  }
0x12: {  	s1 =	sld [smem:$0x3F99];
	s0 =	simm.s32 @p0 $0x1  }
0x13: {  	[smem:$0x3FB4] =	sst s0;
	s0 =	simm.s32 @!p1 $0x0  }
0x14: {  	s2 =	sld [smem:$0x3F98];
	s0 =	simm.s32 @p1 $0x1  }
0x15: {  	[smem:$0x3FB5] =	sst s0;
	s0 =	simm.s32 @!p2 $0x0  }
0x16: {  	s3 =	sld [smem:$0x3FDB];
	s0 =	simm.s32 @p2 $0x1  }
0x17: {  	s4 =	simm.s32 $0x1BF5;
	[smem:$0x3FB7] =	sst s0  }
0x18: {  	s0 =	sld [smem:$0x3F9A];
	_ =	swait.ge [sflag:s4], $0x0  }
0x19: {  	s7 =	sld [smem:$0x3F9B]  }
0x1a: {  	s8 =	sadd.s32 $0xFFFFE003, lr  }
0x1b: {  	s9 =	sadd.s32 $0xFFFFFEF7, lr;
	s5 =	simm.s32 $0xFFFFFFFF;
	p2 =	slt.u32 s8, $0xFFFFF086  }
0x1c: {  	p1 =	slt.u32 s9, $0xF7A;
	s5 =	simm.s32 @!p2 $0x0  }
0x1d: {  	s5 =	simm.s32 @p1 $0x1;
	p0 =	seq.s32 s7, s2  }
0x1e: {  	s7 =	smul.u32 @!p0 $0xF7A, s2;
	p2 =	seq.s32 @!p0 s5, $0x0  }
0x1f: {  	s9 =	smul.u32 $0xF7A, s1;
	s8 =	simm.s32 @!p0 $0x1BF5;
	p2 =	por !p2, p0  }
0x20: {  	[sflag:s8] =	ssyncset.s32 @!p0 $0xFFFFF086;
	s6 =	sadd.s32 @!p0 s3, s7;
	s7 =	simm.s32 @!p0 $0x108  }
0x21: {  	s3 =	sadd.s32 s3, s9;
	s6 =	sadd.s32 @!p0 $0x88, s6;
	s7 =	simm.s32 @p2 $0x1082  }
0x22: {  	[simem:s7], [sflag:s8] =	dma.local @!p0 [hbm:s6], $0xF7A  }
0x23: {  	s9 =	sor.u32 $0xD0000000, s2;
	s6 =	simm.s32 $0x108;
	_ =	swait.ge @!p0 [sflag:s8], $0x0  }
0x24: {  	s3 =	sadd.s32 $0x88, s3;
	s6 =	simm.s32 @!p1 $0x1082;
	[sflag:s4] =	ssyncset.s32 $0xFFFFF086  }
0x25: {  	[simem:s6], [sflag:s4] =	dma.local [hbm:s3], $0xF7A  }
0x26: {  	[smem:$0x3F9B] =	sst s1;
	(tag) =	ssettag s2;
	_ =	strace s9  }
0x27: {  	s1 =	sld [smem:$0x3FAB]  }
0x28: {  	s2 =	sld [smem:$0x3FAC]  }
0x29: {  	s4 =	sld [smem:$0x3FAE]  }
0x2a: {  	p0 =	seq.s32 s5, $0x0;
	s5 =	sld [smem:$0x3FAF]  }
0x2b: {  	s6 =	sld [smem:$0x3FB0]  }
0x2c: {  	s7 =	sld [smem:$0x3FB1]  }
0x2d: {  	s3 =	simm.s32 $0x108;
	s8 =	sld [smem:$0x3FB2]  }
0x2e: {  	s3 =	simm.s32 @!p0 $0x1082;
	s9 =	sld [smem:$0x3FB3]  }
0x2f: {  	lr =	sadd.s32 s0, s3;
	s0 =	sld [smem:$0x3FAA]  }
0x30: {  	s3 =	sld [smem:$0x3FAD]  }
0x31: {  	[smem:$0x3FB6] =	sst s10  }
0x32: {  	s10 =	sld [smem:$0x3FB4];
	_ =	sdelay $0x3  }
0x33: {  	p0 =	seq.s32 s10, $0x1;
	s10 =	sld [smem:$0x3FB6];
	_ =	sdelay $0x3  }
0x34: {  	[smem:$0x3FB6] =	sst s10  }
0x35: {  	s10 =	sld [smem:$0x3FB5];
	_ =	sdelay $0x3  }
0x36: {  	p1 =	seq.s32 s10, $0x1;
	s10 =	sld [smem:$0x3FB6];
	_ =	sdelay $0x3  }
0x37: {  	[smem:$0x3FB6] =	sst s10  }
0x38: {  	s10 =	sld [smem:$0x3FB7]  }
0x39: {  	_ = 	snop;
	(pc) =	sbr.ind lr, $3  }
0x3a: {  	_ = 	snop  }
0x3b: {  	_ = 	snop  }
0x3c: {  	p2 =	seq.s32 s10, $0x1;
	s10 =	sld [smem:$0x3FB6]  }
0x3d: {  	_ =	shalt  }
0x3e: {  	_ =	shalt  }
0x3f: {  	_ =	shalt  }
0x40: {  	_ =	shalt  }
0x41: {  	_ =	shalt  }
0x42: {  	_ =	shalt  }
0x43: {  	_ =	shalt  }
0x44: {  	_ =	shalt  }
0x45: {  	_ =	shalt  }
0x46: {  	_ =	shalt  }
0x47: {  	_ =	shalt  }
0x48: {  	_ =	shalt  }
0x49: {  	_ =	shalt  }
0x4a: {  	_ =	shalt  }
0x4b: {  	_ =	shalt  }
0x4c: {  	_ =	shalt  }
0x4d: {  	_ =	shalt  }
0x4e: {  	_ =	shalt  }
0x4f: {  	_ =	shalt  }
0x50: {  	_ =	shalt  }
0x51: {  	_ =	shalt  }
0x52: {  	_ =	shalt  }
0x53: {  	_ =	shalt  }
0x54: {  	_ =	shalt  }
0x55: {  	_ =	shalt  }
0x56: {  	_ =	shalt  }
0x57: {  	_ =	shalt  }
0x58: {  	_ =	shalt  }
0x59: {  	_ =	shalt  }
0x5a: {  	_ =	shalt  }
0x5b: {  	_ =	shalt  }
0x5c: {  	_ =	shalt  }
0x5d: {  	_ =	shalt  }
0x5e: {  	_ =	shalt  }
0x5f: {  	_ =	shalt  }
0x60: {  	_ =	shalt  }
0x61: {  	_ =	shalt  }
0x62: {  	_ =	shalt  }
0x63: {  	_ =	shalt  }
0x64: {  	_ =	shalt  }
0x65: {  	_ =	shalt  }
0x66: {  	_ =	shalt  }
0x67: {  	_ =	shalt  }
0x68: {  	_ =	shalt  }
0x69: {  	_ =	shalt  }
0x6a: {  	_ =	shalt  }
0x6b: {  	_ =	shalt  }
0x6c: {  	_ =	shalt  }
0x6d: {  	_ =	shalt  }
0x6e: {  	_ =	shalt  }
0x6f: {  	_ =	shalt  }
0x70: {  	_ =	shalt  }
0x71: {  	_ =	shalt  }
0x72: {  	_ =	shalt  }
0x73: {  	_ =	shalt  }
0x74: {  	_ =	shalt  }
0x75: {  	_ =	shalt  }
0x76: {  	_ =	shalt  }
0x77: {  	_ =	shalt  }
0x78: {  	_ =	shalt  }
0x79: {  	_ =	shalt  }
0x7a: {  	_ =	shalt  }
0x7b: {  	_ =	shalt  }
0x7c: {  	_ =	shalt  }
0x7d: {  	_ =	shalt  }
0x7e: {  	_ =	shalt  }
0x7f: {  	_ =	shalt  }
0x80: {  	_ =	shalt  }
0x81: {  	_ =	shalt  }
0x82: {  	_ =	shalt  }
0x83: {  	_ =	shalt  }
0x84: {  	_ =	shalt  }
0x85: {  	_ =	shalt  }
0x86: {  	_ =	shalt  }
0x87: {  	_ =	shalt  }
.Lfunc_end0:
.L_simem_size_0:
called_computation.1_lowered:
.L_overlay_start_0:
0x88: {  	s2 =	sld [smem:$0x3FD9]  }
0x89: {  	s3 =	sld [smem:$0x3FFE];
	_ =	sdelay $0x1  }
0x8a: {  	s1 =	srdreg.scid  }
0x8b: {  	s0 =	sand.u32 $0x1, s1  }
0x8c: {  	s17 =	sshll.u32 s0, $0xA;
	s2 =	sadd.s32 s3, s2  }
0x8d: {  	s2 =	sadd.s32 s2, s17  }
0x8e: {  	[smem:$0x3FC2] =	sst s2  }
0x8f: {  	_ = 	snop  }
0x90: {  	s2 =	sld [smem:$0x3FD0];
	(tm) =	ssettm $0x1  }
0x91: {  	s18 =	sld [smem:$0x3FFB];
	_ =	sdelay $0x3  }
0x92: {  	_ =	strace s18  }
0x93: {  	s3 =	sld [smem:$0x3FFC];
	_ =	sdelay $0x3  }
0x94: {  	_ =	strace s3  }
0x95: {  	s3 =	sld [smem:$0x3FFD];
	_ =	sdelay $0x3  }
0x96: {  	_ =	strace s3  }
0x97: {  	_ =	strace $0x8FFFFFFF  }
0x98: {  	s19 =	sld [smem:$0x3FDB];
	_ =	sdelay $0x1  }
0x99: {  	s4 =	simm.s32 $_scs_section_size  }
0x9a: {  	s5 =	simm.s32 $_size__tile_overlayer_lowered;
	s6 =	simm.s32 $_tile_overlayer_lowered  }
0x9b: {  	s22 =	simm.s32 $0x1BFF;
	s21 =	sshll.u32 s6, $0x1;
	s3 =	sadd.s32 s4, s19  }
0x9c: {  	s7 =	simm.s32 $0x0;
	s20 =	sshll.u32 s5, $0x1;
	s5 =	sadd.s32 s21, s3  }
0x9d: {  	[timem:s7], [sflag:s22] =	dma.local [hbm:s5], s20  }
0x9e: {  	_ =	swait.ge [sflag:s22], s20  }
0x9f: {  	s4 =	ssub.s32 $0x0, s20;
	[sflag:s22] =	ssyncset.done $0x0  }
0xa0: {  	[sflag:s22] =	ssyncadd.s32 s4;
	_ =	sdelay $0x1  }
0xa1: {  	s23 =	simm.s32 $0x1B8B  }
0xa2: {  	_ =	swait.ge [sflag:s23], $0x1  }
0xa3: {  	[sflag:s23] =	ssyncset.done $0x0  }
0xa4: {  	s25 =	simm.s32 $0x1B8E;
	s24 =	sld [smem:$0x3FFE];
	[sflag:s23] =	ssyncadd.s32 $0xFFFFFFFF  }
0xa5: {  	s26 =	simm.s32 $execute0_lowered;
	[smem:$0x3FD2] =	sst s25  }
0xa6: {  	s5 =	sshll.u32 s26, $0x1;
	_ =	strace $0x80000049;
	[dreg:$0x1] =	wrdreg $0xFFFFFFFF  }
0xa7: {  	s28 =	simm.s32 $_size_execute0_lowered;
	s3 =	sadd.s32 s3, s5;
	[dreg:$0x0] =	wrdreg $0x0  }
0xa8: {  	s5 =	sshll.u32 s28, $0x1;
	[dreg:$0x2] =	wrdreg s3  }
0xa9: {  	[dreg:$0x3] =	wrdreg s5  }
0xaa: {  	[dreg:$0x4] =	wrdreg $0xC0  }
0xab: {  	_ =	task [dreg:s7], $0x5FFFF  }
0xac: {  	[dreg:$0x1] =	wrdreg $0xFFFFFFFF  }
0xad: {  	[dreg:$0x0] =	wrdreg $0x60  }
0xae: {  	[dreg:$0x2] =	wrdreg s2  }
0xaf: {  	[dreg:$0x3] =	wrdreg s24  }
0xb0: {  	[dreg:$0x4] =	wrdreg $0x41000  }
0xb1: {  	[dreg:$0x5] =	wrdreg $0x9  }
0xb2: {  	_ =	task.clear_ibuf [dreg:s7], $0x6FFFF;
	_ =	strace $0x90000049  }
0xb3: {  	s29 =	simm.s32 $0x9;
	_ =	strace $0x8000004B  }
0xb4: {  	_ =	swait.ge [sflag:s29], $0x1  }
0xb5: {  	[sflag:s29] =	ssyncadd.s32 $0xFFFFFFFF  }
0xb6: {  	_ =	strace $0x9000004B  }
0xb7: {  	_ =	sfence  }
0xb8: {  	s30 =	sld [smem:$0x0];
	_ =	sdelay $0x2  }
0xb9: {  	s31 =	sshll.u32 s1, $0xD;
	s1 =	sshrl.u32 s1, $0x2  }
0xba: {  	s3 =	sand.u32 $0x4000, s31;
	s1 =	sadd.s32 s1, s30  }
0xbb: {  	s0 =	sor.u32 s3, s0;
	s1 =	sshll.u32 s1, $0x11  }
0xbc: {  	s0 =	sor.u32 s1, s0  }
0xbd: {  	s0 =	sadd.s32 $0x8F2B, s0  }
0xbe: {  	[sflag:s0] =	ssyncadd.remote.s32 $0x1  }
0xbf: {  	_ =	sfence.sel $0xFFFF  }
0xc0: {  	[dreg:$0x0] =	wrdreg $0xFFFFFFFF;
	(pc) =	sbr.abs _section_cstart, $3  }
0xc1: {  	[dreg:$0x1] =	wrdreg $0xFFFFFFFF  }
0xc2: {  	_ =	task.clear_ibuf [dreg:s7], $0x2FFFF;
	_ =	strace $0x9FFFFFFF  }
0xc3: {  	(tm) =	ssettm $0x7FFFFFFF  }
tec
execute0_lowered:
.L_overlay_start_1:
0x0: {  	(tag) =	ssettag $0x1  }
0x1: {  	s0 =	rddreg [dreg:$0x0]  }
0x2: {  	s5 =	rddreg [dreg:$0x1]  }
0x3: {  	s1 =	srdreg.scid;
	s2 =	stileid.u32  }
0x4: {  	s3 =	rddreg [dreg:$0x2];
	s4 =	simm.s32 $0x0;
	s8 =	smul.u32 $0x13C00, s2  }
0x5: {  	s13 =	simm.s32 $0x80;
	s14 =	simm.s32 $0x100;
	s26 =	smul.u32 $0x4F000, s2  }
0x6: {  	s15 =	simm.s32 $0x1;
	s6 =	sand.u32 $0x1, s1;
	s30 =	smul.u32 $0x500, s2  }
0x7: {  	s16 =	simm.s32 $0x0;
	s1 =	rddreg [dreg:$0x3];
	s7 =	smul.u32 $0x5000, s6  }
0x8: {  	[smem:$0x7FF] =	sst s4;
	s31 =	sshll.u32 s2, $0x6;
	s9 =	smul.u32 $0x13C000, s6  }
0x9: {  	_ =	strace $0x8000004A;
	s6 =	ssub.s32 $0x2, s6;
	s25 =	sshrl.u32 s8, $0x3  }
0xa: {  	s28 =	sshrl.u32 s6, $0x1;
	s29 =	sshrl.u32 s26, $0x2;
	s10 =	sadd.s32 s7, s5  }
0xb: {  	s8 =	sadd.s32 s8, s9;
	s7 =	sadd.s32 s25, s5;
	s11 =	ssub.s32 s6, s28  }
0xc: {  	s12 =	sadd.s32 s29, s3;
	s6 =	sor.u32 $0x1C02, s31;
	s8 =	sshrl.u32 s8, $0x3  }
0xd: {  	s10 =	sadd.s32 s30, s10;
	s8 =	sadd.s32 s8, s5;
	s5 =	sadd.s32 $0xCE00, s7  }
0xe: {  	s9 =	sadd.s32 $0x2E00, s10;
	s10 =	sadd.s32 $0x83600, s10;
	s7 =	sadd.s32 $0x34600, s8  }
0xf: {  	s8 =	smax.u32 s11, $0x1;
	s11 =	sshrl.u32 s12, $0x3;
	s12 =	simm.s32 $0x2  }
.LBB2_1:
0x10: {  	[spmem:s11], [sflag:s6] =	dma.local [hbm:s5], $0x2780  }
0x11: {  	_ =	swait.ge [sflag:s12], $0x2780  }
0x12: {  	[sflag:s12] =	ssyncset.done $0x0  }
0x13: {  	[sflag:s12] =	ssyncadd.s32 $0xFFFFD880  }
0x14: {  	s17 =	sadd.s32 $0x0, s10;
	[bflag:$0x0] =	sbarrier.arrive $0xFFFF  }
0x15: {  	[tilespmem:s4], [sflag:$0x2] =	stream.linear.gather [hbm4b:s17+s4], $0x80, $0x38;
	[tilespmem:$0x17D00] =	vst v63  }
0x16: {  	_ =	swait.ge [sflag:s12], $0x80  }
0x17: {  	[sflag:s12] =	ssyncset.done $0x0  }
0x18: {  	s31 =	sadd.s32 $0x0, s9;
	[sflag:s12] =	ssyncadd.s32 $0xFFFFFF80  }
0x19: {  	[tilespmem:s13], [sflag:$0x2] =	stream.linear.gather [hbm4b:s31+s4], $0x80, $0x38;
	[tilespmem:$0x17D00] =	vst v63  }
0x1a: {  	_ =	swait.ge [sflag:s12], $0x80  }
0x1b: {  	[sflag:s12] =	ssyncset.done $0x0  }
0x1c: {  	[sflag:s12] =	ssyncadd.s32 $0xFFFFFF80  }
0x1d: {  	[tilespmem:s14], [sflag:$0x1] =	stream.indirect.gather [hbm4b:s0+s13], $0x80, s4, s13, $0xb8;
	[tilespmem:$0x17D00] =	vst v63  }
0x1e: {  	_ =	swait.ge [sflag:s15], $0x4000  }
0x1f: {  	[sflag:s15] =	ssyncset.done $0x0  }
0x20: {  	[sflag:s15] =	ssyncadd.s32 $0xFFFFC000  }
0x21: {  	[spmem:s3] =	stream.indirect.scatter.add.f32 [tilespmem:s14], [sflag:$0x2], $0x80, s13, s13, $0xb8;
	[tilespmem:$0x17D00] =	vst v63  }
0x22: {  	_ =	swait.ge [sflag:s12], $0x4000  }
0x23: {  	s18 =	simm.s32 $0x20;
	s17 =	simm.s32 $0x10;
	[sflag:s12] =	ssyncset.done $0x0  }
.LBB2_2:
0x24: {  	s19 =	sadd.s32 s17, s10  }
0x25: {  	[sflag:s12] =	ssyncadd.s32 $0xFFFFC000;
	s20 =	smov.u32 s18;
	s21 =	sadd.s32 $0x10, s18  }
0x26: {  	[tilespmem:s4], [sflag:$0x2] =	stream.linear.gather [hbm4b:s19+s4], $0x80, $0x38;
	[tilespmem:$0x17D00] =	vst v63  }
0x27: {  	p0 =	sne.s32 s18, $0x4F0;
	_ =	swait.ge [sflag:s12], $0x80  }
0x28: {  	[sflag:s12] =	ssyncset.done $0x0  }
0x29: {  	s18 =	sadd.s32 s17, s9;
	s17 =	smov.u32 s20;
	[sflag:s12] =	ssyncadd.s32 $0xFFFFFF80  }
0x2a: {  	[tilespmem:s13], [sflag:$0x2] =	stream.linear.gather [hbm4b:s18+s4], $0x80, $0x38;
	[tilespmem:$0x17D00] =	vst v63  }
0x2b: {  	_ =	swait.ge [sflag:s12], $0x80  }
0x2c: {  	[sflag:s12] =	ssyncset.done $0x0  }
0x2d: {  	[sflag:s12] =	ssyncadd.s32 $0xFFFFFF80  }
0x2e: {  	[tilespmem:s14], [sflag:$0x1] =	stream.indirect.gather [hbm4b:s0+s13], $0x80, s4, s13, $0xb8;
	[tilespmem:$0x17D00] =	vst v63  }
0x2f: {  	_ =	swait.ge [sflag:s15], $0x4000  }
.Ltmp0:
0x30: {  	[sflag:s15] =	ssyncset.done $0x0;
	(pc) =	sbr.rel @p0 .LBB2_2-.Ltmp0, $4  }
0x31: {  	[sflag:s15] =	ssyncadd.s32 $0xFFFFC000  }
0x32: {  	[spmem:s3] =	stream.indirect.scatter.add.f32 [tilespmem:s14], [sflag:$0x2], $0x80, s13, s13, $0xb8;
	[tilespmem:$0x17D00] =	vst v63  }
0x33: {  	_ =	swait.ge [sflag:s12], $0x4000  }
0x34: {  	s18 =	smov.u32 s21;
	[sflag:s12] =	ssyncset.done $0x0  }
0x35: {  	s18 =	sadd.s32 s17, s10;
	[sflag:s12] =	ssyncadd.s32 $0xFFFFC000  }
0x36: {  	[tilespmem:s4], [sflag:$0x2] =	stream.linear.gather [hbm4b:s18+s4], $0x80, $0x38;
	[tilespmem:$0x17D00] =	vst v63  }
0x37: {  	_ =	swait.ge [sflag:s12], $0x80  }
0x38: {  	[sflag:s12] =	ssyncset.done $0x0  }
0x39: {  	s31 =	sadd.s32 s17, s9;
	[sflag:s12] =	ssyncadd.s32 $0xFFFFFF80  }
0x3a: {  	[tilespmem:s13], [sflag:$0x2] =	stream.linear.gather [hbm4b:s31+s4], $0x80, $0x38;
	[tilespmem:$0x17D00] =	vst v63  }
0x3b: {  	_ =	swait.ge [sflag:s12], $0x80  }
0x3c: {  	[sflag:s12] =	ssyncset.done $0x0  }
0x3d: {  	[sflag:s12] =	ssyncadd.s32 $0xFFFFFF80  }
0x3e: {  	[tilespmem:s14], [sflag:$0x1] =	stream.indirect.gather [hbm4b:s0+s13], $0x80, s4, s13, $0xb8;
	[tilespmem:$0x17D00] =	vst v63  }
0x3f: {  	_ =	swait.ge [sflag:s15], $0x4000  }
0x40: {  	[sflag:s15] =	ssyncset.done $0x0  }
0x41: {  	[sflag:s15] =	ssyncadd.s32 $0xFFFFC000  }
0x42: {  	[spmem:s3] =	stream.indirect.scatter.add.f32 [tilespmem:s14], [sflag:$0x2], $0x80, s13, s13, $0xb8;
	[tilespmem:$0x17D00] =	vst v63  }
0x43: {  	_ =	swait.ge [sflag:s12], $0x4000  }
0x44: {  	s16 =	sadd.s32 $0x1, s16;
	[sflag:s12] =	ssyncset.done $0x0  }
0x45: {  	p0 =	sne.s32 s16, s8;
	[sflag:s12] =	ssyncadd.s32 $0xFFFFC000  }
.Ltmp1:
0x46: {  	[bflag:$0x0] =	sbarrier.arrive $0xFFFF;
	(pc) =	sbr.rel @p0 .LBB2_1-.Ltmp1, $4  }
0x47: {  	[hbm:s7], [sflag:s6] =	dma.local [spmem:s11], $0x2780  }
0x48: {  	_ =	swait.ge [sflag:s12], $0x2780  }
0x49: {  	[sflag:s12] =	ssyncset.done $0x0  }
0x4a: {  	[sflag:s12] =	ssyncadd.s32 $0xFFFFD880  }
0x4b: {  	_ =	sfence.sel $0x180000  }
0x4c: {  	[bflag:$0x0] =	sbarrier.arrive $0xFFFF  }
0x4d: {  	p0 =	sne.s32 s2, $0x0;
	_ =	strace $0x9000004A  }
0x4e: {  	s0 =	sadd.s32 @!p0 $0x100000, s1;
	[bflag:$0x2] =	sbarrier.arrive $0xFFFF  }
0x4f: {  	[sflag:s0] =	ssyncadd.tile.s32 @!p0 $0x1;
	_ =	shalt  }
.Lfunc_end2:
_tile_overlayer_lowered:
.L_overlay_start_2:
0x50: {  	(tag) =	ssettag $0x2  }
0x51: {  	s0 =	rddreg [dreg:$0x0];
	s2 =	stileid.u32  }
0x52: {  	s1 =	rddreg [dreg:$0x1];
	p0 =	sne.s32 s2, $0x0  }
0x53: {  	s3 =	rddreg [dreg:$0x2];
	[bflag:$0x3] =	sbarrier.arrive $0xFFFF;
	s2 =	simm.s32 @!p0 $0x1C02  }
0x54: {  	[timem:s3], [sflag:s2] =	dma.local @!p0 [hbm:s0], s1  }
0x55: {  	s0 =	simm.s32 @!p0 $0x2  }
0x56: {  	_ =	swait.ge @!p0 [sflag:s0], s1  }
0x57: {  	s1 =	ssub.s32 @!p0 $0x0, s1;
	[sflag:s0] =	ssyncset.done @!p0 $0x0  }
0x58: {  	[sflag:s0] =	ssyncadd.s32 @!p0 s1  }
0x59: {  	[bflag:$0x3] =	sbarrier.arrive $0xFFFF  }
0x5a: {  	_ =	shalt  }

// kernel: kernel.16.cloned.1.call-start
scs
__scs_entry_jumppad:
0x0: {  	(pc) =	sbr.rel $0x88, $3  }
0x1: {  	(tag) =	ssettag $0x0;
	lr =	simm.s32 $0x1  }
0x2: {  	[smem:$0x3F9B] =	sst lr;
	_ =	strace $0xD0000000  }
0x3: {  	_ = 	snop  }
0x4: {  	_ = 	snop  }
0x5: {  	_ = 	snop  }
0x6: {  	_ = 	snop  }
0x7: {  	_ = 	snop  }
__scs_overlays_trampoline_lowered:
0x8: {  	[smem:$0x3FAA] =	sst s0  }
0x9: {  	[smem:$0x3FAB] =	sst s1  }
0xa: {  	[smem:$0x3FAC] =	sst s2  }
0xb: {  	[smem:$0x3FAD] =	sst s3  }
0xc: {  	[smem:$0x3FAE] =	sst s4  }
0xd: {  	[smem:$0x3FAF] =	sst s5  }
0xe: {  	[smem:$0x3FB0] =	sst s6  }
0xf: {  	[smem:$0x3FB1] =	sst s7  }
0x10: {  	[smem:$0x3FB2] =	sst s8  }
0x11: {  	[smem:$0x3FB3] =	sst s9;
	s0 =	simm.s32 @!p0 $0x0  }
0x12: {  	s1 =	sld [smem:$0x3F99];
	s0 =	simm.s32 @p0 $0x1  }
0x13: {  	[smem:$0x3FB4] =	sst s0;
	s0 =	simm.s32 @!p1 $0x0  }
0x14: {  	s2 =	sld [smem:$0x3F98];
	s0 =	simm.s32 @p1 $0x1  }
0x15: {  	[smem:$0x3FB5] =	sst s0;
	s0 =	simm.s32 @!p2 $0x0  }
0x16: {  	s3 =	sld [smem:$0x3FDB];
	s0 =	simm.s32 @p2 $0x1  }
0x17: {  	s4 =	simm.s32 $0x1BF5;
	[smem:$0x3FB7] =	sst s0  }
0x18: {  	s0 =	sld [smem:$0x3F9A];
	_ =	swait.ge [sflag:s4], $0x0  }
0x19: {  	s7 =	sld [smem:$0x3F9B]  }
0x1a: {  	s8 =	sadd.s32 $0xFFFFE003, lr  }
0x1b: {  	s9 =	sadd.s32 $0xFFFFFEF7, lr;
	s5 =	simm.s32 $0xFFFFFFFF;
	p2 =	slt.u32 s8, $0xFFFFF086  }
0x1c: {  	p1 =	slt.u32 s9, $0xF7A;
	s5 =	simm.s32 @!p2 $0x0  }
0x1d: {  	s5 =	simm.s32 @p1 $0x1;
	p0 =	seq.s32 s7, s2  }
0x1e: {  	s7 =	smul.u32 @!p0 $0xF7A, s2;
	p2 =	seq.s32 @!p0 s5, $0x0  }
0x1f: {  	s9 =	smul.u32 $0xF7A, s1;
	s8 =	simm.s32 @!p0 $0x1BF5;
	p2 =	por !p2, p0  }
0x20: {  	[sflag:s8] =	ssyncset.s32 @!p0 $0xFFFFF086;
	s6 =	sadd.s32 @!p0 s3, s7;
	s7 =	simm.s32 @!p0 $0x108  }
0x21: {  	s3 =	sadd.s32 s3, s9;
	s6 =	sadd.s32 @!p0 $0x88, s6;
	s7 =	simm.s32 @p2 $0x1082  }
0x22: {  	[simem:s7], [sflag:s8] =	dma.local @!p0 [hbm:s6], $0xF7A  }
0x23: {  	s9 =	sor.u32 $0xD0000000, s2;
	s6 =	simm.s32 $0x108;
	_ =	swait.ge @!p0 [sflag:s8], $0x0  }
0x24: {  	s3 =	sadd.s32 $0x88, s3;
	s6 =	simm.s32 @!p1 $0x1082;
	[sflag:s4] =	ssyncset.s32 $0xFFFFF086  }
0x25: {  	[simem:s6], [sflag:s4] =	dma.local [hbm:s3], $0xF7A  }
0x26: {  	[smem:$0x3F9B] =	sst s1;
	(tag) =	ssettag s2;
	_ =	strace s9  }
0x27: {  	s1 =	sld [smem:$0x3FAB]  }
0x28: {  	s2 =	sld [smem:$0x3FAC]  }
0x29: {  	s4 =	sld [smem:$0x3FAE]  }
0x2a: {  	p0 =	seq.s32 s5, $0x0;
	s5 =	sld [smem:$0x3FAF]  }
0x2b: {  	s6 =	sld [smem:$0x3FB0]  }
0x2c: {  	s7 =	sld [smem:$0x3FB1]  }
0x2d: {  	s3 =	simm.s32 $0x108;
	s8 =	sld [smem:$0x3FB2]  }
0x2e: {  	s3 =	simm.s32 @!p0 $0x1082;
	s9 =	sld [smem:$0x3FB3]  }
0x2f: {  	lr =	sadd.s32 s0, s3;
	s0 =	sld [smem:$0x3FAA]  }
0x30: {  	s3 =	sld [smem:$0x3FAD]  }
0x31: {  	[smem:$0x3FB6] =	sst s10  }
0x32: {  	s10 =	sld [smem:$0x3FB4];
	_ =	sdelay $0x3  }
0x33: {  	p0 =	seq.s32 s10, $0x1;
	s10 =	sld [smem:$0x3FB6];
	_ =	sdelay $0x3  }
0x34: {  	[smem:$0x3FB6] =	sst s10  }
0x35: {  	s10 =	sld [smem:$0x3FB5];
	_ =	sdelay $0x3  }
0x36: {  	p1 =	seq.s32 s10, $0x1;
	s10 =	sld [smem:$0x3FB6];
	_ =	sdelay $0x3  }
0x37: {  	[smem:$0x3FB6] =	sst s10  }
0x38: {  	s10 =	sld [smem:$0x3FB7]  }
0x39: {  	_ = 	snop;
	(pc) =	sbr.ind lr, $3  }
0x3a: {  	_ = 	snop  }
0x3b: {  	_ = 	snop  }
0x3c: {  	p2 =	seq.s32 s10, $0x1;
	s10 =	sld [smem:$0x3FB6]  }
0x3d: {  	_ =	shalt  }
0x3e: {  	_ =	shalt  }
0x3f: {  	_ =	shalt  }
0x40: {  	_ =	shalt  }
0x41: {  	_ =	shalt  }
0x42: {  	_ =	shalt  }
0x43: {  	_ =	shalt  }
0x44: {  	_ =	shalt  }
0x45: {  	_ =	shalt  }
0x46: {  	_ =	shalt  }
0x47: {  	_ =	shalt  }
0x48: {  	_ =	shalt  }
0x49: {  	_ =	shalt  }
0x4a: {  	_ =	shalt  }
0x4b: {  	_ =	shalt  }
0x4c: {  	_ =	shalt  }
0x4d: {  	_ =	shalt  }
0x4e: {  	_ =	shalt  }
0x4f: {  	_ =	shalt  }
0x50: {  	_ =	shalt  }
0x51: {  	_ =	shalt  }
0x52: {  	_ =	shalt  }
0x53: {  	_ =	shalt  }
0x54: {  	_ =	shalt  }
0x55: {  	_ =	shalt  }
0x56: {  	_ =	shalt  }
0x57: {  	_ =	shalt  }
0x58: {  	_ =	shalt  }
0x59: {  	_ =	shalt  }
0x5a: {  	_ =	shalt  }
0x5b: {  	_ =	shalt  }
0x5c: {  	_ =	shalt  }
0x5d: {  	_ =	shalt  }
0x5e: {  	_ =	shalt  }
0x5f: {  	_ =	shalt  }
0x60: {  	_ =	shalt  }
0x61: {  	_ =	shalt  }
0x62: {  	_ =	shalt  }
0x63: {  	_ =	shalt  }
0x64: {  	_ =	shalt  }
0x65: {  	_ =	shalt  }
0x66: {  	_ =	shalt  }
0x67: {  	_ =	shalt  }
0x68: {  	_ =	shalt  }
0x69: {  	_ =	shalt  }
0x6a: {  	_ =	shalt  }
0x6b: {  	_ =	shalt  }
0x6c: {  	_ =	shalt  }
0x6d: {  	_ =	shalt  }
0x6e: {  	_ =	shalt  }
0x6f: {  	_ =	shalt  }
0x70: {  	_ =	shalt  }
0x71: {  	_ =	shalt  }
0x72: {  	_ =	shalt  }
0x73: {  	_ =	shalt  }
0x74: {  	_ =	shalt  }
0x75: {  	_ =	shalt  }
0x76: {  	_ =	shalt  }
0x77: {  	_ =	shalt  }
0x78: {  	_ =	shalt  }
0x79: {  	_ =	shalt  }
0x7a: {  	_ =	shalt  }
0x7b: {  	_ =	shalt  }
0x7c: {  	_ =	shalt  }
0x7d: {  	_ =	shalt  }
0x7e: {  	_ =	shalt  }
0x7f: {  	_ =	shalt  }
0x80: {  	_ =	shalt  }
0x81: {  	_ =	shalt  }
0x82: {  	_ =	shalt  }
0x83: {  	_ =	shalt  }
0x84: {  	_ =	shalt  }
0x85: {  	_ =	shalt  }
0x86: {  	_ =	shalt  }
0x87: {  	_ =	shalt  }
.Lfunc_end0:
.L_simem_size_0:
called_computation.2_lowered:
.L_overlay_start_0:
0x88: {  	s2 =	sld [smem:$0x3FD9]  }
0x89: {  	s3 =	sld [smem:$0x3FFE];
	_ =	sdelay $0x1  }
0x8a: {  	s1 =	srdreg.scid  }
0x8b: {  	s0 =	sand.u32 $0x1, s1  }
0x8c: {  	s17 =	sshll.u32 s0, $0xA;
	s2 =	sadd.s32 s3, s2  }
0x8d: {  	s2 =	sadd.s32 s2, s17  }
0x8e: {  	[smem:$0x3FC2] =	sst s2  }
0x8f: {  	_ = 	snop  }
0x90: {  	s2 =	sld [smem:$0x3FD0];
	(tm) =	ssettm $0x1  }
0x91: {  	s18 =	sld [smem:$0x3FFB];
	_ =	sdelay $0x3  }
0x92: {  	_ =	strace s18  }
0x93: {  	s3 =	sld [smem:$0x3FFC];
	_ =	sdelay $0x3  }
0x94: {  	_ =	strace s3  }
0x95: {  	s3 =	sld [smem:$0x3FFD];
	_ =	sdelay $0x3  }
0x96: {  	_ =	strace s3  }
0x97: {  	_ =	strace $0x8FFFFFFF  }
0x98: {  	s19 =	sld [smem:$0x3FDB];
	_ =	sdelay $0x1  }
0x99: {  	s4 =	simm.s32 $_scs_section_size  }
0x9a: {  	s5 =	simm.s32 $_size__tile_overlayer_lowered;
	s6 =	simm.s32 $_tile_overlayer_lowered  }
0x9b: {  	s22 =	simm.s32 $0x1BFF;
	s21 =	sshll.u32 s6, $0x1;
	s3 =	sadd.s32 s4, s19  }
0x9c: {  	s7 =	simm.s32 $0x0;
	s20 =	sshll.u32 s5, $0x1;
	s5 =	sadd.s32 s21, s3  }
0x9d: {  	[timem:s7], [sflag:s22] =	dma.local [hbm:s5], s20  }
0x9e: {  	_ =	swait.ge [sflag:s22], s20  }
0x9f: {  	s4 =	ssub.s32 $0x0, s20;
	[sflag:s22] =	ssyncset.done $0x0  }
0xa0: {  	[sflag:s22] =	ssyncadd.s32 s4;
	_ =	sdelay $0x1  }
0xa1: {  	s23 =	simm.s32 $0x1B8B  }
0xa2: {  	_ =	swait.ge [sflag:s23], $0x1  }
0xa3: {  	[sflag:s23] =	ssyncset.done $0x0  }
0xa4: {  	s25 =	simm.s32 $0x1B8E;
	s24 =	sld [smem:$0x3FFE];
	[sflag:s23] =	ssyncadd.s32 $0xFFFFFFFF  }
0xa5: {  	s26 =	simm.s32 $execute0_lowered;
	[smem:$0x3FD2] =	sst s25  }
0xa6: {  	s5 =	sshll.u32 s26, $0x1;
	_ =	strace $0x8000004C;
	[dreg:$0x1] =	wrdreg $0xFFFFFFFF  }
0xa7: {  	s28 =	simm.s32 $_size_execute0_lowered;
	s3 =	sadd.s32 s3, s5;
	[dreg:$0x0] =	wrdreg $0x0  }
0xa8: {  	s5 =	sshll.u32 s28, $0x1;
	[dreg:$0x2] =	wrdreg s3  }
0xa9: {  	[dreg:$0x3] =	wrdreg s5  }
0xaa: {  	[dreg:$0x4] =	wrdreg $0xC0  }
0xab: {  	_ =	task [dreg:s7], $0x5FFFF  }
0xac: {  	[dreg:$0x1] =	wrdreg $0xFFFFFFFF  }
0xad: {  	[dreg:$0x0] =	wrdreg $0x60  }
0xae: {  	[dreg:$0x2] =	wrdreg s2  }
0xaf: {  	[dreg:$0x3] =	wrdreg s24  }
0xb0: {  	[dreg:$0x4] =	wrdreg $0x41000  }
0xb1: {  	[dreg:$0x5] =	wrdreg $0x9  }
0xb2: {  	_ =	task.clear_ibuf [dreg:s7], $0x6FFFF;
	_ =	strace $0x9000004C  }
0xb3: {  	s29 =	simm.s32 $0x9;
	_ =	strace $0x8000004E  }
0xb4: {  	_ =	swait.ge [sflag:s29], $0x1  }
0xb5: {  	[sflag:s29] =	ssyncadd.s32 $0xFFFFFFFF  }
0xb6: {  	_ =	strace $0x9000004E  }
0xb7: {  	_ =	sfence  }
0xb8: {  	s30 =	sld [smem:$0x0];
	_ =	sdelay $0x2  }
0xb9: {  	s31 =	sshll.u32 s1, $0xD;
	s1 =	sshrl.u32 s1, $0x2  }
0xba: {  	s3 =	sand.u32 $0x4000, s31;
	s1 =	sadd.s32 s1, s30  }
0xbb: {  	s0 =	sor.u32 s3, s0;
	s1 =	sshll.u32 s1, $0x11  }
0xbc: {  	s0 =	sor.u32 s1, s0  }
0xbd: {  	s0 =	sadd.s32 $0x8F2B, s0  }
0xbe: {  	[sflag:s0] =	ssyncadd.remote.s32 $0x1  }
0xbf: {  	_ =	sfence.sel $0xFFFF  }
0xc0: {  	[dreg:$0x0] =	wrdreg $0xFFFFFFFF;
	(pc) =	sbr.abs _section_cstart, $3  }
0xc1: {  	[dreg:$0x1] =	wrdreg $0xFFFFFFFF  }
0xc2: {  	_ =	task.clear_ibuf [dreg:s7], $0x2FFFF;
	_ =	strace $0x9FFFFFFF  }
0xc3: {  	(tm) =	ssettm $0x7FFFFFFF  }
tec
execute0_lowered:
.L_overlay_start_1:
0x0: {  	(tag) =	ssettag $0x1  }
0x1: {  	s0 =	rddreg [dreg:$0x0]  }
0x2: {  	s5 =	rddreg [dreg:$0x1]  }
0x3: {  	s1 =	srdreg.scid;
	s2 =	stileid.u32  }
0x4: {  	s3 =	rddreg [dreg:$0x2];
	s4 =	simm.s32 $0x0;
	s8 =	smul.u32 $0x13C00, s2  }
0x5: {  	s13 =	simm.s32 $0x80;
	s14 =	simm.s32 $0x100;
	s26 =	smul.u32 $0x4F000, s2  }
0x6: {  	s15 =	simm.s32 $0x1;
	s6 =	sand.u32 $0x1, s1;
	s30 =	smul.u32 $0x500, s2  }
0x7: {  	s16 =	simm.s32 $0x0;
	s1 =	rddreg [dreg:$0x3];
	s7 =	smul.u32 $0x5000, s6  }
0x8: {  	[smem:$0x7FF] =	sst s4;
	s31 =	sshll.u32 s2, $0x6;
	s9 =	smul.u32 $0x13C000, s6  }
0x9: {  	_ =	strace $0x8000004D;
	s6 =	ssub.s32 $0x2, s6;
	s25 =	sshrl.u32 s8, $0x3  }
0xa: {  	s28 =	sshrl.u32 s6, $0x1;
	s29 =	sshrl.u32 s26, $0x2;
	s10 =	sadd.s32 s7, s5  }
0xb: {  	s8 =	sadd.s32 s8, s9;
	s7 =	sadd.s32 s25, s5;
	s11 =	ssub.s32 s6, s28  }
0xc: {  	s12 =	sadd.s32 s29, s3;
	s6 =	sor.u32 $0x1C02, s31;
	s8 =	sshrl.u32 s8, $0x3  }
0xd: {  	s10 =	sadd.s32 s30, s10;
	s8 =	sadd.s32 s8, s5;
	s5 =	sadd.s32 $0xCE00, s7  }
0xe: {  	s9 =	sadd.s32 $0x2E00, s10;
	s10 =	sadd.s32 $0x83600, s10;
	s7 =	sadd.s32 $0x34600, s8  }
0xf: {  	s8 =	smax.u32 s11, $0x1;
	s11 =	sshrl.u32 s12, $0x3;
	s12 =	simm.s32 $0x2  }
.LBB2_1:
0x10: {  	[spmem:s11], [sflag:s6] =	dma.local [hbm:s5], $0x2780  }
0x11: {  	_ =	swait.ge [sflag:s12], $0x2780  }
0x12: {  	[sflag:s12] =	ssyncset.done $0x0  }
0x13: {  	[sflag:s12] =	ssyncadd.s32 $0xFFFFD880  }
0x14: {  	s17 =	sadd.s32 $0x0, s10;
	[bflag:$0x0] =	sbarrier.arrive $0xFFFF  }
0x15: {  	[tilespmem:s4], [sflag:$0x2] =	stream.linear.gather [hbm4b:s17+s4], $0x80, $0x38;
	[tilespmem:$0x17D00] =	vst v63  }
0x16: {  	_ =	swait.ge [sflag:s12], $0x80  }
0x17: {  	[sflag:s12] =	ssyncset.done $0x0  }
0x18: {  	s31 =	sadd.s32 $0x0, s9;
	[sflag:s12] =	ssyncadd.s32 $0xFFFFFF80  }
0x19: {  	[tilespmem:s13], [sflag:$0x2] =	stream.linear.gather [hbm4b:s31+s4], $0x80, $0x38;
	[tilespmem:$0x17D00] =	vst v63  }
0x1a: {  	_ =	swait.ge [sflag:s12], $0x80  }
0x1b: {  	[sflag:s12] =	ssyncset.done $0x0  }
0x1c: {  	[sflag:s12] =	ssyncadd.s32 $0xFFFFFF80  }
0x1d: {  	[tilespmem:s14], [sflag:$0x1] =	stream.indirect.gather [hbm4b:s0+s13], $0x80, s4, s13, $0xb8;
	[tilespmem:$0x17D00] =	vst v63  }
0x1e: {  	_ =	swait.ge [sflag:s15], $0x4000  }
0x1f: {  	[sflag:s15] =	ssyncset.done $0x0  }
0x20: {  	[sflag:s15] =	ssyncadd.s32 $0xFFFFC000  }
0x21: {  	[spmem:s3] =	stream.indirect.scatter.add.f32 [tilespmem:s14], [sflag:$0x2], $0x80, s13, s13, $0xb8;
	[tilespmem:$0x17D00] =	vst v63  }
0x22: {  	_ =	swait.ge [sflag:s12], $0x4000  }
0x23: {  	s18 =	simm.s32 $0x20;
	s17 =	simm.s32 $0x10;
	[sflag:s12] =	ssyncset.done $0x0  }
.LBB2_2:
0x24: {  	s19 =	sadd.s32 s17, s10  }
0x25: {  	[sflag:s12] =	ssyncadd.s32 $0xFFFFC000;
	s20 =	smov.u32 s18;
	s21 =	sadd.s32 $0x10, s18  }
0x26: {  	[tilespmem:s4], [sflag:$0x2] =	stream.linear.gather [hbm4b:s19+s4], $0x80, $0x38;
	[tilespmem:$0x17D00] =	vst v63  }
0x27: {  	p0 =	sne.s32 s18, $0x4F0;
	_ =	swait.ge [sflag:s12], $0x80  }
0x28: {  	[sflag:s12] =	ssyncset.done $0x0  }
0x29: {  	s18 =	sadd.s32 s17, s9;
	s17 =	smov.u32 s20;
	[sflag:s12] =	ssyncadd.s32 $0xFFFFFF80  }
0x2a: {  	[tilespmem:s13], [sflag:$0x2] =	stream.linear.gather [hbm4b:s18+s4], $0x80, $0x38;
	[tilespmem:$0x17D00] =	vst v63  }
0x2b: {  	_ =	swait.ge [sflag:s12], $0x80  }
0x2c: {  	[sflag:s12] =	ssyncset.done $0x0  }
0x2d: {  	[sflag:s12] =	ssyncadd.s32 $0xFFFFFF80  }
0x2e: {  	[tilespmem:s14], [sflag:$0x1] =	stream.indirect.gather [hbm4b:s0+s13], $0x80, s4, s13, $0xb8;
	[tilespmem:$0x17D00] =	vst v63  }
0x2f: {  	_ =	swait.ge [sflag:s15], $0x4000  }
.Ltmp0:
0x30: {  	[sflag:s15] =	ssyncset.done $0x0;
	(pc) =	sbr.rel @p0 .LBB2_2-.Ltmp0, $4  }
0x31: {  	[sflag:s15] =	ssyncadd.s32 $0xFFFFC000  }
0x32: {  	[spmem:s3] =	stream.indirect.scatter.add.f32 [tilespmem:s14], [sflag:$0x2], $0x80, s13, s13, $0xb8;
	[tilespmem:$0x17D00] =	vst v63  }
0x33: {  	_ =	swait.ge [sflag:s12], $0x4000  }
0x34: {  	s18 =	smov.u32 s21;
	[sflag:s12] =	ssyncset.done $0x0  }
0x35: {  	s18 =	sadd.s32 s17, s10;
	[sflag:s12] =	ssyncadd.s32 $0xFFFFC000  }
0x36: {  	[tilespmem:s4], [sflag:$0x2] =	stream.linear.gather [hbm4b:s18+s4], $0x80, $0x38;
	[tilespmem:$0x17D00] =	vst v63  }
0x37: {  	_ =	swait.ge [sflag:s12], $0x80  }
0x38: {  	[sflag:s12] =	ssyncset.done $0x0  }
0x39: {  	s31 =	sadd.s32 s17, s9;
	[sflag:s12] =	ssyncadd.s32 $0xFFFFFF80  }
0x3a: {  	[tilespmem:s13], [sflag:$0x2] =	stream.linear.gather [hbm4b:s31+s4], $0x80, $0x38;
	[tilespmem:$0x17D00] =	vst v63  }
0x3b: {  	_ =	swait.ge [sflag:s12], $0x80  }
0x3c: {  	[sflag:s12] =	ssyncset.done $0x0  }
0x3d: {  	[sflag:s12] =	ssyncadd.s32 $0xFFFFFF80  }
0x3e: {  	[tilespmem:s14], [sflag:$0x1] =	stream.indirect.gather [hbm4b:s0+s13], $0x80, s4, s13, $0xb8;
	[tilespmem:$0x17D00] =	vst v63  }
0x3f: {  	_ =	swait.ge [sflag:s15], $0x4000  }
0x40: {  	[sflag:s15] =	ssyncset.done $0x0  }
0x41: {  	[sflag:s15] =	ssyncadd.s32 $0xFFFFC000  }
0x42: {  	[spmem:s3] =	stream.indirect.scatter.add.f32 [tilespmem:s14], [sflag:$0x2], $0x80, s13, s13, $0xb8;
	[tilespmem:$0x17D00] =	vst v63  }
0x43: {  	_ =	swait.ge [sflag:s12], $0x4000  }
0x44: {  	s16 =	sadd.s32 $0x1, s16;
	[sflag:s12] =	ssyncset.done $0x0  }
0x45: {  	p0 =	sne.s32 s16, s8;
	[sflag:s12] =	ssyncadd.s32 $0xFFFFC000  }
.Ltmp1:
0x46: {  	[bflag:$0x0] =	sbarrier.arrive $0xFFFF;
	(pc) =	sbr.rel @p0 .LBB2_1-.Ltmp1, $4  }
0x47: {  	[hbm:s7], [sflag:s6] =	dma.local [spmem:s11], $0x2780  }
0x48: {  	_ =	swait.ge [sflag:s12], $0x2780  }
0x49: {  	[sflag:s12] =	ssyncset.done $0x0  }
0x4a: {  	[sflag:s12] =	ssyncadd.s32 $0xFFFFD880  }
0x4b: {  	_ =	sfence.sel $0x180000  }
0x4c: {  	[bflag:$0x0] =	sbarrier.arrive $0xFFFF  }
0x4d: {  	p0 =	sne.s32 s2, $0x0;
	_ =	strace $0x9000004D  }
0x4e: {  	s0 =	sadd.s32 @!p0 $0x100000, s1;
	[bflag:$0x2] =	sbarrier.arrive $0xFFFF  }
0x4f: {  	[sflag:s0] =	ssyncadd.tile.s32 @!p0 $0x1;
	_ =	shalt  }
.Lfunc_end2:
_tile_overlayer_lowered:
.L_overlay_start_2:
0x50: {  	(tag) =	ssettag $0x2  }
0x51: {  	s0 =	rddreg [dreg:$0x0];
	s2 =	stileid.u32  }
0x52: {  	s1 =	rddreg [dreg:$0x1];
	p0 =	sne.s32 s2, $0x0  }
0x53: {  	s3 =	rddreg [dreg:$0x2];
	[bflag:$0x3] =	sbarrier.arrive $0xFFFF;
	s2 =	simm.s32 @!p0 $0x1C02  }
0x54: {  	[timem:s3], [sflag:s2] =	dma.local @!p0 [hbm:s0], s1  }
0x55: {  	s0 =	simm.s32 @!p0 $0x2  }
0x56: {  	_ =	swait.ge @!p0 [sflag:s0], s1  }
0x57: {  	s1 =	ssub.s32 @!p0 $0x0, s1;
	[sflag:s0] =	ssyncset.done @!p0 $0x0  }
0x58: {  	[sflag:s0] =	ssyncadd.s32 @!p0 s1  }
0x59: {  	[bflag:$0x3] =	sbarrier.arrive $0xFFFF  }
0x5a: {  	_ =	shalt  }

// kernel: kernel.19.cloned.1.call-start
scs
__scs_entry_jumppad:
0x0: {  	(pc) =	sbr.rel $0x88, $3  }
0x1: {  	(tag) =	ssettag $0x0;
	lr =	simm.s32 $0x1  }
0x2: {  	[smem:$0x3F9B] =	sst lr;
	_ =	strace $0xD0000000  }
0x3: {  	_ = 	snop  }
0x4: {  	_ = 	snop  }
0x5: {  	_ = 	snop  }
0x6: {  	_ = 	snop  }
0x7: {  	_ = 	snop  }
__scs_overlays_trampoline_lowered:
0x8: {  	[smem:$0x3FAA] =	sst s0  }
0x9: {  	[smem:$0x3FAB] =	sst s1  }
0xa: {  	[smem:$0x3FAC] =	sst s2  }
0xb: {  	[smem:$0x3FAD] =	sst s3  }
0xc: {  	[smem:$0x3FAE] =	sst s4  }
0xd: {  	[smem:$0x3FAF] =	sst s5  }
0xe: {  	[smem:$0x3FB0] =	sst s6  }
0xf: {  	[smem:$0x3FB1] =	sst s7  }
0x10: {  	[smem:$0x3FB2] =	sst s8  }
0x11: {  	[smem:$0x3FB3] =	sst s9;
	s0 =	simm.s32 @!p0 $0x0  }
0x12: {  	s1 =	sld [smem:$0x3F99];
	s0 =	simm.s32 @p0 $0x1  }
0x13: {  	[smem:$0x3FB4] =	sst s0;
	s0 =	simm.s32 @!p1 $0x0  }
0x14: {  	s2 =	sld [smem:$0x3F98];
	s0 =	simm.s32 @p1 $0x1  }
0x15: {  	[smem:$0x3FB5] =	sst s0;
	s0 =	simm.s32 @!p2 $0x0  }
0x16: {  	s3 =	sld [smem:$0x3FDB];
	s0 =	simm.s32 @p2 $0x1  }
0x17: {  	s4 =	simm.s32 $0x1BF5;
	[smem:$0x3FB7] =	sst s0  }
0x18: {  	s0 =	sld [smem:$0x3F9A];
	_ =	swait.ge [sflag:s4], $0x0  }
0x19: {  	s7 =	sld [smem:$0x3F9B]  }
0x1a: {  	s8 =	sadd.s32 $0xFFFFE003, lr  }
0x1b: {  	s9 =	sadd.s32 $0xFFFFFEF7, lr;
	s5 =	simm.s32 $0xFFFFFFFF;
	p2 =	slt.u32 s8, $0xFFFFF086  }
0x1c: {  	p1 =	slt.u32 s9, $0xF7A;
	s5 =	simm.s32 @!p2 $0x0  }
0x1d: {  	s5 =	simm.s32 @p1 $0x1;
	p0 =	seq.s32 s7, s2  }
0x1e: {  	s7 =	smul.u32 @!p0 $0xF7A, s2;
	p2 =	seq.s32 @!p0 s5, $0x0  }
0x1f: {  	s9 =	smul.u32 $0xF7A, s1;
	s8 =	simm.s32 @!p0 $0x1BF5;
	p2 =	por !p2, p0  }
0x20: {  	[sflag:s8] =	ssyncset.s32 @!p0 $0xFFFFF086;
	s6 =	sadd.s32 @!p0 s3, s7;
	s7 =	simm.s32 @!p0 $0x108  }
0x21: {  	s3 =	sadd.s32 s3, s9;
	s6 =	sadd.s32 @!p0 $0x88, s6;
	s7 =	simm.s32 @p2 $0x1082  }
0x22: {  	[simem:s7], [sflag:s8] =	dma.local @!p0 [hbm:s6], $0xF7A  }
0x23: {  	s9 =	sor.u32 $0xD0000000, s2;
	s6 =	simm.s32 $0x108;
	_ =	swait.ge @!p0 [sflag:s8], $0x0  }
0x24: {  	s3 =	sadd.s32 $0x88, s3;
	s6 =	simm.s32 @!p1 $0x1082;
	[sflag:s4] =	ssyncset.s32 $0xFFFFF086  }
0x25: {  	[simem:s6], [sflag:s4] =	dma.local [hbm:s3], $0xF7A  }
0x26: {  	[smem:$0x3F9B] =	sst s1;
	(tag) =	ssettag s2;
	_ =	strace s9  }
0x27: {  	s1 =	sld [smem:$0x3FAB]  }
0x28: {  	s2 =	sld [smem:$0x3FAC]  }
0x29: {  	s4 =	sld [smem:$0x3FAE]  }
0x2a: {  	p0 =	seq.s32 s5, $0x0;
	s5 =	sld [smem:$0x3FAF]  }
0x2b: {  	s6 =	sld [smem:$0x3FB0]  }
0x2c: {  	s7 =	sld [smem:$0x3FB1]  }
0x2d: {  	s3 =	simm.s32 $0x108;
	s8 =	sld [smem:$0x3FB2]  }
0x2e: {  	s3 =	simm.s32 @!p0 $0x1082;
	s9 =	sld [smem:$0x3FB3]  }
0x2f: {  	lr =	sadd.s32 s0, s3;
	s0 =	sld [smem:$0x3FAA]  }
0x30: {  	s3 =	sld [smem:$0x3FAD]  }
0x31: {  	[smem:$0x3FB6] =	sst s10  }
0x32: {  	s10 =	sld [smem:$0x3FB4];
	_ =	sdelay $0x3  }
0x33: {  	p0 =	seq.s32 s10, $0x1;
	s10 =	sld [smem:$0x3FB6];
	_ =	sdelay $0x3  }
0x34: {  	[smem:$0x3FB6] =	sst s10  }
0x35: {  	s10 =	sld [smem:$0x3FB5];
	_ =	sdelay $0x3  }
0x36: {  	p1 =	seq.s32 s10, $0x1;
	s10 =	sld [smem:$0x3FB6];
	_ =	sdelay $0x3  }
0x37: {  	[smem:$0x3FB6] =	sst s10  }
0x38: {  	s10 =	sld [smem:$0x3FB7]  }
0x39: {  	_ = 	snop;
	(pc) =	sbr.ind lr, $3  }
0x3a: {  	_ = 	snop  }
0x3b: {  	_ = 	snop  }
0x3c: {  	p2 =	seq.s32 s10, $0x1;
	s10 =	sld [smem:$0x3FB6]  }
0x3d: {  	_ =	shalt  }
0x3e: {  	_ =	shalt  }
0x3f: {  	_ =	shalt  }
0x40: {  	_ =	shalt  }
0x41: {  	_ =	shalt  }
0x42: {  	_ =	shalt  }
0x43: {  	_ =	shalt  }
0x44: {  	_ =	shalt  }
0x45: {  	_ =	shalt  }
0x46: {  	_ =	shalt  }
0x47: {  	_ =	shalt  }
0x48: {  	_ =	shalt  }
0x49: {  	_ =	shalt  }
0x4a: {  	_ =	shalt  }
0x4b: {  	_ =	shalt  }
0x4c: {  	_ =	shalt  }
0x4d: {  	_ =	shalt  }
0x4e: {  	_ =	shalt  }
0x4f: {  	_ =	shalt  }
0x50: {  	_ =	shalt  }
0x51: {  	_ =	shalt  }
0x52: {  	_ =	shalt  }
0x53: {  	_ =	shalt  }
0x54: {  	_ =	shalt  }
0x55: {  	_ =	shalt  }
0x56: {  	_ =	shalt  }
0x57: {  	_ =	shalt  }
0x58: {  	_ =	shalt  }
0x59: {  	_ =	shalt  }
0x5a: {  	_ =	shalt  }
0x5b: {  	_ =	shalt  }
0x5c: {  	_ =	shalt  }
0x5d: {  	_ =	shalt  }
0x5e: {  	_ =	shalt  }
0x5f: {  	_ =	shalt  }
0x60: {  	_ =	shalt  }
0x61: {  	_ =	shalt  }
0x62: {  	_ =	shalt  }
0x63: {  	_ =	shalt  }
0x64: {  	_ =	shalt  }
0x65: {  	_ =	shalt  }
0x66: {  	_ =	shalt  }
0x67: {  	_ =	shalt  }
0x68: {  	_ =	shalt  }
0x69: {  	_ =	shalt  }
0x6a: {  	_ =	shalt  }
0x6b: {  	_ =	shalt  }
0x6c: {  	_ =	shalt  }
0x6d: {  	_ =	shalt  }
0x6e: {  	_ =	shalt  }
0x6f: {  	_ =	shalt  }
0x70: {  	_ =	shalt  }
0x71: {  	_ =	shalt  }
0x72: {  	_ =	shalt  }
0x73: {  	_ =	shalt  }
0x74: {  	_ =	shalt  }
0x75: {  	_ =	shalt  }
0x76: {  	_ =	shalt  }
0x77: {  	_ =	shalt  }
0x78: {  	_ =	shalt  }
0x79: {  	_ =	shalt  }
0x7a: {  	_ =	shalt  }
0x7b: {  	_ =	shalt  }
0x7c: {  	_ =	shalt  }
0x7d: {  	_ =	shalt  }
0x7e: {  	_ =	shalt  }
0x7f: {  	_ =	shalt  }
0x80: {  	_ =	shalt  }
0x81: {  	_ =	shalt  }
0x82: {  	_ =	shalt  }
0x83: {  	_ =	shalt  }
0x84: {  	_ =	shalt  }
0x85: {  	_ =	shalt  }
0x86: {  	_ =	shalt  }
0x87: {  	_ =	shalt  }
.Lfunc_end0:
.L_simem_size_0:
called_computation.3_lowered:
.L_overlay_start_0:
0x88: {  	s2 =	sld [smem:$0x3FD9]  }
0x89: {  	s3 =	sld [smem:$0x3FFE];
	_ =	sdelay $0x1  }
0x8a: {  	s1 =	srdreg.scid  }
0x8b: {  	s0 =	sand.u32 $0x1, s1  }
0x8c: {  	s17 =	sshll.u32 s0, $0xA;
	s2 =	sadd.s32 s3, s2  }
0x8d: {  	s2 =	sadd.s32 s2, s17  }
0x8e: {  	[smem:$0x3FC2] =	sst s2  }
0x8f: {  	_ = 	snop  }
0x90: {  	s2 =	sld [smem:$0x3FD0];
	(tm) =	ssettm $0x1  }
0x91: {  	s18 =	sld [smem:$0x3FFB];
	_ =	sdelay $0x3  }
0x92: {  	_ =	strace s18  }
0x93: {  	s3 =	sld [smem:$0x3FFC];
	_ =	sdelay $0x3  }
0x94: {  	_ =	strace s3  }
0x95: {  	s3 =	sld [smem:$0x3FFD];
	_ =	sdelay $0x3  }
0x96: {  	_ =	strace s3  }
0x97: {  	_ =	strace $0x8FFFFFFF  }
0x98: {  	s19 =	sld [smem:$0x3FDB];
	_ =	sdelay $0x1  }
0x99: {  	s4 =	simm.s32 $_scs_section_size  }
0x9a: {  	s5 =	simm.s32 $_size__tile_overlayer_lowered;
	s6 =	simm.s32 $_tile_overlayer_lowered  }
0x9b: {  	s22 =	simm.s32 $0x1BFF;
	s21 =	sshll.u32 s6, $0x1;
	s3 =	sadd.s32 s4, s19  }
0x9c: {  	s7 =	simm.s32 $0x0;
	s20 =	sshll.u32 s5, $0x1;
	s5 =	sadd.s32 s21, s3  }
0x9d: {  	[timem:s7], [sflag:s22] =	dma.local [hbm:s5], s20  }
0x9e: {  	_ =	swait.ge [sflag:s22], s20  }
0x9f: {  	s4 =	ssub.s32 $0x0, s20;
	[sflag:s22] =	ssyncset.done $0x0  }
0xa0: {  	[sflag:s22] =	ssyncadd.s32 s4;
	_ =	sdelay $0x1  }
0xa1: {  	s23 =	simm.s32 $0x1B8B  }
0xa2: {  	_ =	swait.ge [sflag:s23], $0x1  }
0xa3: {  	[sflag:s23] =	ssyncset.done $0x0  }
0xa4: {  	s25 =	simm.s32 $0x1B8E;
	s24 =	sld [smem:$0x3FFE];
	[sflag:s23] =	ssyncadd.s32 $0xFFFFFFFF  }
0xa5: {  	s26 =	simm.s32 $execute0_lowered;
	[smem:$0x3FD2] =	sst s25  }
0xa6: {  	s5 =	sshll.u32 s26, $0x1;
	_ =	strace $0x8000004F;
	[dreg:$0x1] =	wrdreg $0xFFFFFFFF  }
0xa7: {  	s28 =	simm.s32 $_size_execute0_lowered;
	s3 =	sadd.s32 s3, s5;
	[dreg:$0x0] =	wrdreg $0x0  }
0xa8: {  	s5 =	sshll.u32 s28, $0x1;
	[dreg:$0x2] =	wrdreg s3  }
0xa9: {  	[dreg:$0x3] =	wrdreg s5  }
0xaa: {  	[dreg:$0x4] =	wrdreg $0xC0  }
0xab: {  	_ =	task [dreg:s7], $0x5FFFF  }
0xac: {  	[dreg:$0x1] =	wrdreg $0xFFFFFFFF  }
0xad: {  	[dreg:$0x0] =	wrdreg $0x60  }
0xae: {  	[dreg:$0x2] =	wrdreg s2  }
0xaf: {  	[dreg:$0x3] =	wrdreg s24  }
0xb0: {  	[dreg:$0x4] =	wrdreg $0x41000  }
0xb1: {  	[dreg:$0x5] =	wrdreg $0x9  }
0xb2: {  	_ =	task.clear_ibuf [dreg:s7], $0x6FFFF;
	_ =	strace $0x9000004F  }
0xb3: {  	s29 =	simm.s32 $0x9;
	_ =	strace $0x80000051  }
0xb4: {  	_ =	swait.ge [sflag:s29], $0x1  }
0xb5: {  	[sflag:s29] =	ssyncadd.s32 $0xFFFFFFFF  }
0xb6: {  	_ =	strace $0x90000051  }
0xb7: {  	_ =	sfence  }
0xb8: {  	s30 =	sld [smem:$0x0];
	_ =	sdelay $0x2  }
0xb9: {  	s31 =	sshll.u32 s1, $0xD;
	s1 =	sshrl.u32 s1, $0x2  }
0xba: {  	s3 =	sand.u32 $0x4000, s31;
	s1 =	sadd.s32 s1, s30  }
0xbb: {  	s0 =	sor.u32 s3, s0;
	s1 =	sshll.u32 s1, $0x11  }
0xbc: {  	s0 =	sor.u32 s1, s0  }
0xbd: {  	s0 =	sadd.s32 $0x8F2B, s0  }
0xbe: {  	[sflag:s0] =	ssyncadd.remote.s32 $0x1  }
0xbf: {  	_ =	sfence.sel $0xFFFF  }
0xc0: {  	[dreg:$0x0] =	wrdreg $0xFFFFFFFF;
	(pc) =	sbr.abs _section_cstart, $3  }
0xc1: {  	[dreg:$0x1] =	wrdreg $0xFFFFFFFF  }
0xc2: {  	_ =	task.clear_ibuf [dreg:s7], $0x2FFFF;
	_ =	strace $0x9FFFFFFF  }
0xc3: {  	(tm) =	ssettm $0x7FFFFFFF  }
tec
execute0_lowered:
.L_overlay_start_1:
0x0: {  	(tag) =	ssettag $0x1  }
0x1: {  	s0 =	rddreg [dreg:$0x0]  }
0x2: {  	s5 =	rddreg [dreg:$0x1]  }
0x3: {  	s1 =	srdreg.scid;
	s2 =	stileid.u32  }
0x4: {  	s3 =	rddreg [dreg:$0x2];
	s4 =	simm.s32 $0x0;
	s8 =	smul.u32 $0x13C00, s2  }
0x5: {  	s13 =	simm.s32 $0x80;
	s14 =	simm.s32 $0x100;
	s26 =	smul.u32 $0x4F000, s2  }
0x6: {  	s15 =	simm.s32 $0x1;
	s6 =	sand.u32 $0x1, s1;
	s30 =	smul.u32 $0x500, s2  }
0x7: {  	s16 =	simm.s32 $0x0;
	s1 =	rddreg [dreg:$0x3];
	s7 =	smul.u32 $0x5000, s6  }
0x8: {  	[smem:$0x7FF] =	sst s4;
	s31 =	sshll.u32 s2, $0x6;
	s9 =	smul.u32 $0x13C000, s6  }
0x9: {  	_ =	strace $0x80000050;
	s6 =	ssub.s32 $0x2, s6;
	s25 =	sshrl.u32 s8, $0x3  }
0xa: {  	s28 =	sshrl.u32 s6, $0x1;
	s29 =	sshrl.u32 s26, $0x2;
	s10 =	sadd.s32 s7, s5  }
0xb: {  	s8 =	sadd.s32 s8, s9;
	s7 =	sadd.s32 s25, s5;
	s11 =	ssub.s32 s6, s28  }
0xc: {  	s12 =	sadd.s32 s29, s3;
	s6 =	sor.u32 $0x1C02, s31;
	s8 =	sshrl.u32 s8, $0x3  }
0xd: {  	s10 =	sadd.s32 s30, s10;
	s8 =	sadd.s32 s8, s5;
	s5 =	sadd.s32 $0xCE00, s7  }
0xe: {  	s9 =	sadd.s32 $0x2E00, s10;
	s10 =	sadd.s32 $0x83600, s10;
	s7 =	sadd.s32 $0x34600, s8  }
0xf: {  	s8 =	smax.u32 s11, $0x1;
	s11 =	sshrl.u32 s12, $0x3;
	s12 =	simm.s32 $0x2  }
.LBB2_1:
0x10: {  	[spmem:s11], [sflag:s6] =	dma.local [hbm:s5], $0x2780  }
0x11: {  	_ =	swait.ge [sflag:s12], $0x2780  }
0x12: {  	[sflag:s12] =	ssyncset.done $0x0  }
0x13: {  	[sflag:s12] =	ssyncadd.s32 $0xFFFFD880  }
0x14: {  	s17 =	sadd.s32 $0x0, s10;
	[bflag:$0x0] =	sbarrier.arrive $0xFFFF  }
0x15: {  	[tilespmem:s4], [sflag:$0x2] =	stream.linear.gather [hbm4b:s17+s4], $0x80, $0x38;
	[tilespmem:$0x17D00] =	vst v63  }
0x16: {  	_ =	swait.ge [sflag:s12], $0x80  }
0x17: {  	[sflag:s12] =	ssyncset.done $0x0  }
0x18: {  	s31 =	sadd.s32 $0x0, s9;
	[sflag:s12] =	ssyncadd.s32 $0xFFFFFF80  }
0x19: {  	[tilespmem:s13], [sflag:$0x2] =	stream.linear.gather [hbm4b:s31+s4], $0x80, $0x38;
	[tilespmem:$0x17D00] =	vst v63  }
0x1a: {  	_ =	swait.ge [sflag:s12], $0x80  }
0x1b: {  	[sflag:s12] =	ssyncset.done $0x0  }
0x1c: {  	[sflag:s12] =	ssyncadd.s32 $0xFFFFFF80  }
0x1d: {  	[tilespmem:s14], [sflag:$0x1] =	stream.indirect.gather [hbm4b:s0+s13], $0x80, s4, s13, $0xb8;
	[tilespmem:$0x17D00] =	vst v63  }
0x1e: {  	_ =	swait.ge [sflag:s15], $0x4000  }
0x1f: {  	[sflag:s15] =	ssyncset.done $0x0  }
0x20: {  	[sflag:s15] =	ssyncadd.s32 $0xFFFFC000  }
0x21: {  	[spmem:s3] =	stream.indirect.scatter.add.f32 [tilespmem:s14], [sflag:$0x2], $0x80, s13, s13, $0xb8;
	[tilespmem:$0x17D00] =	vst v63  }
0x22: {  	_ =	swait.ge [sflag:s12], $0x4000  }
0x23: {  	s18 =	simm.s32 $0x20;
	s17 =	simm.s32 $0x10;
	[sflag:s12] =	ssyncset.done $0x0  }
.LBB2_2:
0x24: {  	s19 =	sadd.s32 s17, s10  }
0x25: {  	[sflag:s12] =	ssyncadd.s32 $0xFFFFC000;
	s20 =	smov.u32 s18;
	s21 =	sadd.s32 $0x10, s18  }
0x26: {  	[tilespmem:s4], [sflag:$0x2] =	stream.linear.gather [hbm4b:s19+s4], $0x80, $0x38;
	[tilespmem:$0x17D00] =	vst v63  }
0x27: {  	p0 =	sne.s32 s18, $0x4F0;
	_ =	swait.ge [sflag:s12], $0x80  }
0x28: {  	[sflag:s12] =	ssyncset.done $0x0  }
0x29: {  	s18 =	sadd.s32 s17, s9;
	s17 =	smov.u32 s20;
	[sflag:s12] =	ssyncadd.s32 $0xFFFFFF80  }
0x2a: {  	[tilespmem:s13], [sflag:$0x2] =	stream.linear.gather [hbm4b:s18+s4], $0x80, $0x38;
	[tilespmem:$0x17D00] =	vst v63  }
0x2b: {  	_ =	swait.ge [sflag:s12], $0x80  }
0x2c: {  	[sflag:s12] =	ssyncset.done $0x0  }
0x2d: {  	[sflag:s12] =	ssyncadd.s32 $0xFFFFFF80  }
0x2e: {  	[tilespmem:s14], [sflag:$0x1] =	stream.indirect.gather [hbm4b:s0+s13], $0x80, s4, s13, $0xb8;
	[tilespmem:$0x17D00] =	vst v63  }
0x2f: {  	_ =	swait.ge [sflag:s15], $0x4000  }
.Ltmp0:
0x30: {  	[sflag:s15] =	ssyncset.done $0x0;
	(pc) =	sbr.rel @p0 .LBB2_2-.Ltmp0, $4  }
0x31: {  	[sflag:s15] =	ssyncadd.s32 $0xFFFFC000  }
0x32: {  	[spmem:s3] =	stream.indirect.scatter.add.f32 [tilespmem:s14], [sflag:$0x2], $0x80, s13, s13, $0xb8;
	[tilespmem:$0x17D00] =	vst v63  }
0x33: {  	_ =	swait.ge [sflag:s12], $0x4000  }
0x34: {  	s18 =	smov.u32 s21;
	[sflag:s12] =	ssyncset.done $0x0  }
0x35: {  	s18 =	sadd.s32 s17, s10;
	[sflag:s12] =	ssyncadd.s32 $0xFFFFC000  }
0x36: {  	[tilespmem:s4], [sflag:$0x2] =	stream.linear.gather [hbm4b:s18+s4], $0x80, $0x38;
	[tilespmem:$0x17D00] =	vst v63  }
0x37: {  	_ =	swait.ge [sflag:s12], $0x80  }
0x38: {  	[sflag:s12] =	ssyncset.done $0x0  }
0x39: {  	s31 =	sadd.s32 s17, s9;
	[sflag:s12] =	ssyncadd.s32 $0xFFFFFF80  }
0x3a: {  	[tilespmem:s13], [sflag:$0x2] =	stream.linear.gather [hbm4b:s31+s4], $0x80, $0x38;
	[tilespmem:$0x17D00] =	vst v63  }
0x3b: {  	_ =	swait.ge [sflag:s12], $0x80  }
0x3c: {  	[sflag:s12] =	ssyncset.done $0x0  }
0x3d: {  	[sflag:s12] =	ssyncadd.s32 $0xFFFFFF80  }
0x3e: {  	[tilespmem:s14], [sflag:$0x1] =	stream.indirect.gather [hbm4b:s0+s13], $0x80, s4, s13, $0xb8;
	[tilespmem:$0x17D00] =	vst v63  }
0x3f: {  	_ =	swait.ge [sflag:s15], $0x4000  }
0x40: {  	[sflag:s15] =	ssyncset.done $0x0  }
0x41: {  	[sflag:s15] =	ssyncadd.s32 $0xFFFFC000  }
0x42: {  	[spmem:s3] =	stream.indirect.scatter.add.f32 [tilespmem:s14], [sflag:$0x2], $0x80, s13, s13, $0xb8;
	[tilespmem:$0x17D00] =	vst v63  }
0x43: {  	_ =	swait.ge [sflag:s12], $0x4000  }
0x44: {  	s16 =	sadd.s32 $0x1, s16;
	[sflag:s12] =	ssyncset.done $0x0  }
0x45: {  	p0 =	sne.s32 s16, s8;
	[sflag:s12] =	ssyncadd.s32 $0xFFFFC000  }
.Ltmp1:
0x46: {  	[bflag:$0x0] =	sbarrier.arrive $0xFFFF;
	(pc) =	sbr.rel @p0 .LBB2_1-.Ltmp1, $4  }
0x47: {  	[hbm:s7], [sflag:s6] =	dma.local [spmem:s11], $0x2780  }
0x48: {  	_ =	swait.ge [sflag:s12], $0x2780  }
0x49: {  	[sflag:s12] =	ssyncset.done $0x0  }
0x4a: {  	[sflag:s12] =	ssyncadd.s32 $0xFFFFD880  }
0x4b: {  	_ =	sfence.sel $0x180000  }
0x4c: {  	[bflag:$0x0] =	sbarrier.arrive $0xFFFF  }
0x4d: {  	p0 =	sne.s32 s2, $0x0;
	_ =	strace $0x90000050  }
0x4e: {  	s0 =	sadd.s32 @!p0 $0x100000, s1;
	[bflag:$0x2] =	sbarrier.arrive $0xFFFF  }
0x4f: {  	[sflag:s0] =	ssyncadd.tile.s32 @!p0 $0x1;
	_ =	shalt  }
.Lfunc_end2:
_tile_overlayer_lowered:
.L_overlay_start_2:
0x50: {  	(tag) =	ssettag $0x2  }
0x51: {  	s0 =	rddreg [dreg:$0x0];
	s2 =	stileid.u32  }
0x52: {  	s1 =	rddreg [dreg:$0x1];
	p0 =	sne.s32 s2, $0x0  }
0x53: {  	s3 =	rddreg [dreg:$0x2];
	[bflag:$0x3] =	sbarrier.arrive $0xFFFF;
	s2 =	simm.s32 @!p0 $0x1C02  }
0x54: {  	[timem:s3], [sflag:s2] =	dma.local @!p0 [hbm:s0], s1  }
0x55: {  	s0 =	simm.s32 @!p0 $0x2  }
0x56: {  	_ =	swait.ge @!p0 [sflag:s0], s1  }
0x57: {  	s1 =	ssub.s32 @!p0 $0x0, s1;
	[sflag:s0] =	ssyncset.done @!p0 $0x0  }
0x58: {  	[sflag:s0] =	ssyncadd.s32 @!p0 s1  }
0x59: {  	[bflag:$0x3] =	sbarrier.arrive $0xFFFF  }
0x5a: {  	_ =	shalt  }

</sc_bundles>
